<compile_context>
chip_gen: v7x
topology: tpu7x:2x2x1
jax: 0.10.2.dev20260603
libtpu: 0.0.44.dev20260713+nightly
codegen_flags: <defaults>
</compile_context>

<pallas_src>
import functools

import jax
import jax.numpy as jnp
from jax import lax
from jax.experimental import pallas as pl
from jax.experimental.pallas import tpu as pltpu
from jax.experimental.pallas import tpu_sc as plsc

_D = 64
_WN = 128
_IB = 8
_HF = 2


def _body(x_ref, sp_ref, bc_ref, bt_ref, out_ref):
    pieces = {}
    for img in range(_IB):
        for c in range(3):
            xcb = x_ref[img, c].astype(jnp.bfloat16)
            xac = jax.lax.dot_general(
                sp_ref[...], xcb, (((1,), (0,)), ((), ())),
                preferred_element_type=jnp.float32).astype(jnp.bfloat16)
            for pi in range(4):
                for hf in range(_HF):
                    pieces[(img, c, pi, hf)] = jax.lax.slice(
                        xac, (pi * 64, hf * 128),
                        (pi * 64 + 64, hf * 128 + 128))

    for hf in range(_HF):
        rows = []
        for img in range(_IB):
            rows.append(jnp.concatenate(
                [pieces[(img, c, pi, hf)] for c in range(3)
                 for pi in range(4)], axis=1))
        lhs = jnp.concatenate(rows, axis=0)
        out4 = jax.lax.dot_general(
            lhs, bc_ref[...], (((1,), (0,)), ((), ())),
            preferred_element_type=jnp.float32)
        out4 = out4 + bt_ref[:, pl.ds(hf * 2048, 2048)]
        out_ref[:, :, pl.ds(hf * 2048, 2048)] = out4.reshape(_IB, 64, 2048)

def _idx_body(h_hbm, w_hbm, out_hbm, hv, wv, rowv):
    wid = lax.axis_index("s") * 2 + lax.axis_index("c")
    pltpu.sync_copy(h_hbm, hv)
    pltpu.sync_copy(w_hbm, wv)
    chunk = (wid * 2) >> 4
    hc = hv[pl.ds(chunk * 16, 16)]
    wc = wv[pl.ds(chunk * 16, 16)]
    offv = (hc >> 2) * _WN + (wc >> 2)
    for k in range(2):
        n = wid * 2 + k
        offs = lax.gather(
            offv, jnp.full((16, 1), n & 15, jnp.int32),
            lax.GatherDimensionNumbers(offset_dims=(),
                                       collapsed_slice_dims=(0,),
                                       start_index_map=(0,)),
            (1,), mode=lax.GatherScatterMode.PROMISE_IN_BOUNDS)

        def body(r, _):
            p = lax.iota(jnp.int32, 16) + r * 16
            rowv[pl.ds(r * 16, 16)] = (p >> 6) * _WN + (p & 63) + offs
            return _

        lax.fori_loop(0, 256, body, None)
        pltpu.sync_copy(rowv, out_hbm.at[n])


def kernel(x, h_offset, w_offset, W, b):
    N, H, Wd, C = x.shape
    h = H // 4
    w = Wd // 4
    xp = x.transpose(0, 3, 1, 2)

    rr = jnp.arange(256, dtype=jnp.int32)[:, None]
    cc = jnp.arange(256, dtype=jnp.int32)[None, :]
    sperm = (cc == (rr & 63) * 4 + (rr >> 6)).astype(jnp.bfloat16)

    w4 = W.reshape(4, 4, 3, _D)
    eye32 = jnp.eye(32, dtype=jnp.float32)
    bcat = jnp.einsum('pqco,jk->cpjqko', w4, eye32)
    bcat = bcat.reshape(1536, 2048).astype(jnp.bfloat16)

    bt = jnp.tile(b, w).reshape(1, w * _D)

    emb2 = pl.pallas_call(
        _body,
        grid=(N // _IB,),
        in_specs=[
            pl.BlockSpec((_IB, 3, H, Wd), lambda g: (g, 0, 0, 0)),
            pl.BlockSpec((256, 256), lambda g: (0, 0)),
            pl.BlockSpec((1536, 2048), lambda g: (0, 0)),
            pl.BlockSpec((1, w * _D), lambda g: (0, 0)),
        ],
        out_specs=pl.BlockSpec((_IB, h, w * _D), lambda g: (g, 0, 0)),
        out_shape=jax.ShapeDtypeStruct((N, h, w * _D), jnp.float32),
    )(xp, sperm, bcat, bt)

    idx_fn = functools.partial(
        pl.kernel,
        mesh=plsc.VectorSubcoreMesh(core_axis_name="c", subcore_axis_name="s"),
        out_type=jax.ShapeDtypeStruct((N, h * w), jnp.int32),
        scratch_types=[
            pltpu.VMEM((N,), jnp.int32),
            pltpu.VMEM((N,), jnp.int32),
            pltpu.VMEM((h * w,), jnp.int32),
        ],
    )(_idx_body)
    idx = idx_fn(h_offset, w_offset)
    return emb2.reshape(N, h * w, _D), idx

# --- scband reference (transcript-rebuilt; emitter-appended) ---
"""Pipeline reference for scband-multiscale-patch-extractor-39599598469255 (READ-ONLY COPY).

The authoritative reference and input builder live on the scoring server;
editing this copy changes nothing except your own understanding.
"""

import jax, jax.numpy as jnp
import numpy as np

IMG_CHANNELS = 3
NUM_CHANNELS = 64
MAX_SIZE = (512, 512)
PATCH = (4, 4)
BATCH = 64
H_IMG = 256
W_IMG = 256


def _patchify(x, ph, pw):
    N, H, W, C = x.shape
    x = x.reshape(N, H // ph, ph, W // pw, pw, C)
    x = jnp.transpose(x, (0, 1, 3, 2, 4, 5))
    return x.reshape(N, (H // ph) * (W // pw), ph * pw * C)


def setup_inputs(seed: int = 0):
    key = jax.random.key(seed)
    k1, k2, k3, k4, k5 = jax.random.split(key, 5)
    x = jax.random.normal(k1, (BATCH, H_IMG, W_IMG, IMG_CHANNELS), dtype=jnp.float32)
    h_offset = jax.random.randint(k2, (BATCH,), 0, 256, dtype=jnp.int32)
    w_offset = jax.random.randint(k3, (BATCH,), 0, 256, dtype=jnp.int32)
    d_in = PATCH[0] * PATCH[1] * IMG_CHANNELS
    W = jax.random.normal(k4, (d_in, NUM_CHANNELS), dtype=jnp.float32) / np.sqrt(d_in)
    b = jax.random.normal(k5, (NUM_CHANNELS,), dtype=jnp.float32) * 0.01
    return {"x": x, "h_offset": h_offset, "w_offset": w_offset, "W": W, "b": b}


def reference(x, h_offset, w_offset, W, b):
    ph, pw = PATCH
    N, H, Wd, C = x.shape
    # patchify + linear projection to embeddings
    patches = _patchify(x, ph, pw)          # (N, num_embed, ph*pw*C)
    emb = patches @ W + b                    # (N, num_embed, NUM_CHANNELS)
    # patch indexes into the max_size template, offset in pixels -> patches
    Hn = MAX_SIZE[0] // ph
    Wn = MAX_SIZE[1] // pw
    h = H // ph
    w = Wd // pw
    h_off = h_offset // ph
    w_off = w_offset // pw
    arange_h = jnp.arange(h, dtype=jnp.int32)[None, :] + h_off[:, None]   # (N, h)
    arange_w = jnp.arange(w, dtype=jnp.int32)[None, :] + w_off[:, None]   # (N, w)
    indexes = (arange_h * Wn)[:, :, None] + arange_w[:, None, :]          # (N, h, w)
    indexes = indexes.reshape(N, h * w)
    return emb, indexes

if __name__ == "__main__":
    import jax
    _d = setup_inputs()
    print(jax.jit(kernel)(*tuple(_d.values())))

</pallas_src>

<mosaic_0001>
#map = affine_map<(d0, d1) -> (0)>
#map1 = affine_map<(d0, d1) -> (0, 0)>
module attributes {stable_mosaic.version = 14 : i64} {
  func.func @_idx_body(%arg0: i32, %arg1: i32, %arg2: memref<64xi32, #tpu.memory_space<hbm>>, %arg3: memref<64xi32, #tpu.memory_space<hbm>>, %arg4: memref<64x4096xi32, #tpu.memory_space<hbm>>, %arg5: memref<64xi32, #tpu.memory_space<vmem>>, %arg6: memref<64xi32, #tpu.memory_space<vmem>>, %arg7: memref<4096xi32, #tpu.memory_space<vmem>>) attributes {dimension_semantics = [#tpu.dimension_semantics<core_parallel>, #tpu.dimension_semantics<subcore_parallel>], iteration_bounds = array<i64: 2, 16>, scalar_prefetch = 0 : i64, scratch_operands = 3 : i64, tpu.core_type = #tpu.core_type<sc_vector_subcore>, window_params = [{transform_indices = #map}, {transform_indices = #map}, {transform_indices = #map1}]} {
    %mul3A = arith.constant 2 : i32
    %mul3A_0 = arith.muli %arg1, %mul3A : i32
    %add3A = arith.addi %mul3A_0, %arg0 : i32
    "tpu.region"() ({
      %run_scoped3A = tpu.sem_alloc : memref<!tpu.dma_semaphore, #tpu.memory_space<semaphore_mem>>
      tpu.enqueue_dma source(%arg2 : memref<64xi32, #tpu.memory_space<hbm>>) target(%arg5 : memref<64xi32, #tpu.memory_space<vmem>>) target_semaphore(%run_scoped3A : memref<!tpu.dma_semaphore, #tpu.memory_space<semaphore_mem>>)
      tpu.wait_dma2 semaphore(%run_scoped3A : memref<!tpu.dma_semaphore, #tpu.memory_space<semaphore_mem>>) src(%arg2 : memref<64xi32, #tpu.memory_space<hbm>>) dst(%arg5 : memref<64xi32, #tpu.memory_space<vmem>>)
      tpu.yield
    }) : () -> ()
    "tpu.region"() ({
      %run_scoped3A = tpu.sem_alloc : memref<!tpu.dma_semaphore, #tpu.memory_space<semaphore_mem>>
      tpu.enqueue_dma source(%arg3 : memref<64xi32, #tpu.memory_space<hbm>>) target(%arg6 : memref<64xi32, #tpu.memory_space<vmem>>) target_semaphore(%run_scoped3A : memref<!tpu.dma_semaphore, #tpu.memory_space<semaphore_mem>>)
      tpu.wait_dma2 semaphore(%run_scoped3A : memref<!tpu.dma_semaphore, #tpu.memory_space<semaphore_mem>>) src(%arg3 : memref<64xi32, #tpu.memory_space<hbm>>) dst(%arg6 : memref<64xi32, #tpu.memory_space<vmem>>)
      tpu.yield
    }) : () -> ()
    %mul3A_1 = arith.constant 2 : i32
    %mul3A_2 = arith.muli %add3A, %mul3A_1 : i32
    %shift_right_arithmetic3A = arith.constant 4 : i32
    %shift_right_arithmetic3A_3 = arith.shrsi %mul3A_2, %shift_right_arithmetic3A : i32
    %mul3A_4 = arith.constant 16 : i32
    %mul3A_5 = arith.muli %shift_right_arithmetic3A_3, %mul3A_4 : i32
    %get3A = arith.index_cast %mul3A_5 : i32 to index
    %get3A_6 = tpu.vector_load %arg5[%get3A] {strides = array<i32>} : memref<64xi32, #tpu.memory_space<vmem>>, vector<16xi32>,
    %get3A_7 = vector.shape_cast %get3A_6 : vector<16xi32> to vector<16xi32>
    %mul3A_8 = arith.constant 16 : i32
    %mul3A_9 = arith.muli %shift_right_arithmetic3A_3, %mul3A_8 : i32
    %get3A_10 = arith.index_cast %mul3A_9 : i32 to index
    %get3A_11 = tpu.vector_load %arg6[%get3A_10] {strides = array<i32>} : memref<64xi32, #tpu.memory_space<vmem>>, vector<16xi32>,
    %get3A_12 = vector.shape_cast %get3A_11 : vector<16xi32> to vector<16xi32>
    %shift_right_arithmetic3A_13 = arith.constant 2 : i32
    %shift_right_arithmetic3A_14 = vector.broadcast %shift_right_arithmetic3A_13 : i32 to vector<16xi32>
    %shift_right_arithmetic3A_15 = arith.shrsi %get3A_7, %shift_right_arithmetic3A_14 : vector<16xi32>
    %mul3A_16 = arith.constant 128 : i32
    %mul3A_17 = vector.broadcast %mul3A_16 : i32 to vector<16xi32>
    %mul3A_18 = arith.muli %shift_right_arithmetic3A_15, %mul3A_17 : vector<16xi32>
    %shift_right_arithmetic3A_19 = arith.constant 2 : i32
    %shift_right_arithmetic3A_20 = vector.broadcast %shift_right_arithmetic3A_19 : i32 to vector<16xi32>
    %shift_right_arithmetic3A_21 = arith.shrsi %get3A_12, %shift_right_arithmetic3A_20 : vector<16xi32>
    %add3A_22 = arith.addi %mul3A_18, %shift_right_arithmetic3A_21 : vector<16xi32>
    %mul3A_23 = arith.constant 2 : i32
    %mul3A_24 = arith.muli %add3A, %mul3A_23 : i32
    %add3A_25 = arith.constant 0 : i32
    %add3A_26 = arith.addi %mul3A_24, %add3A_25 : i32
    %and3A = arith.constant 15 : i32
    %and3A_27 = arith.andi %add3A_26, %and3A : i32
    %broadcast_in_dim3A = vector.broadcast %and3A_27 : i32 to vector<16x1xi32>
    %gather3A = vector.shape_cast %broadcast_in_dim3A : vector<16x1xi32> to vector<16xi32>
    %gather3A_28 = tpu.dynamic_gather %add3A_22[%gather3A] in [0] : vector<16xi32>, vector<16xi32> -> vector<16xi32>
    %scan3A = arith.constant 0 : i32
    %scan3A_29 = arith.constant 256 : i32
    %scan3A_30 = arith.addi %scan3A, %scan3A_29 : i32
    %scan3A_31 = arith.constant 1 : i32
    scf.for %scan3A_47 = %scan3A to %scan3A_30 step %scan3A_31  : i32 {
      %iota3A = tpu.iota {dimensions = array<i32: 0>} : vector<16xi32>
      %mul3A_48 = arith.constant 16 : i32
      %mul3A_49 = arith.muli %scan3A_47, %mul3A_48 : i32
      %add3A_50 = vector.broadcast %mul3A_49 : i32 to vector<16xi32>
      %add3A_51 = arith.addi %iota3A, %add3A_50 : vector<16xi32>
      %shift_right_arithmetic3A_52 = arith.constant 6 : i32
      %shift_right_arithmetic3A_53 = vector.broadcast %shift_right_arithmetic3A_52 : i32 to vector<16xi32>
      %shift_right_arithmetic3A_54 = arith.shrsi %add3A_51, %shift_right_arithmetic3A_53 : vector<16xi32>
      %mul3A_55 = arith.constant 128 : i32
      %mul3A_56 = vector.broadcast %mul3A_55 : i32 to vector<16xi32>
      %mul3A_57 = arith.muli %shift_right_arithmetic3A_54, %mul3A_56 : vector<16xi32>
      %and3A_58 = arith.constant 63 : i32
      %and3A_59 = vector.broadcast %and3A_58 : i32 to vector<16xi32>
      %and3A_60 = arith.andi %add3A_51, %and3A_59 : vector<16xi32>
      %add3A_61 = arith.addi %mul3A_57, %and3A_60 : vector<16xi32>
      %add3A_62 = arith.addi %add3A_61, %gather3A_28 : vector<16xi32>
      %mul3A_63 = arith.constant 16 : i32
      %mul3A_64 = arith.muli %scan3A_47, %mul3A_63 : i32
      %swap3A = arith.index_cast %mul3A_64 : i32 to index
      %swap3A_65 = tpu.vector_load %arg7[%swap3A] {strides = array<i32>} : memref<4096xi32, #tpu.memory_space<vmem>>, vector<16xi32>,
      %swap3A_66 = vector.shape_cast %swap3A_65 : vector<16xi32> to vector<16xi32>
      %swap3A_67 = vector.shape_cast %add3A_62 : vector<16xi32> to vector<16xi32>
      tpu.vector_store %arg7[%swap3A], %swap3A_67 {strides = array<i32>} : memref<4096xi32, #tpu.memory_space<vmem>>, vector<16xi32>,
    }
    %scan3A_32 = arith.constant 256 : i32
    "tpu.region"() ({
      %run_scoped3A = tpu.sem_alloc : memref<!tpu.dma_semaphore, #tpu.memory_space<semaphore_mem>>
      %dma_start3A = arith.constant 0 : i32
      %dma_start3A_47 = tpu.memref_slice %arg4[%add3A_26, %dma_start3A] : memref<64x4096xi32, #tpu.memory_space<hbm>> -> memref<1x4096xi32, #tpu.memory_space<hbm>>
      %dma_start3A_48 = tpu.memref_squeeze %dma_start3A_47 : memref<1x4096xi32, #tpu.memory_space<hbm>> -> memref<4096xi32, #tpu.memory_space<hbm>>
      %dma_start3A_49 = arith.constant 0 : i32
      %dma_start3A_50 = tpu.memref_slice %arg4[%add3A_26, %dma_start3A_49] : memref<64x4096xi32, #tpu.memory_space<hbm>> -> memref<1x4096xi32, #tpu.memory_space<hbm>>
      %dma_start3A_51 = tpu.memref_squeeze %dma_start3A_50 : memref<1x4096xi32, #tpu.memory_space<hbm>> -> memref<4096xi32, #tpu.memory_space<hbm>>
      tpu.enqueue_dma source(%arg7 : memref<4096xi32, #tpu.memory_space<vmem>>) target(%dma_start3A_51 : memref<4096xi32, #tpu.memory_space<hbm>>) target_semaphore(%run_scoped3A : memref<!tpu.dma_semaphore, #tpu.memory_space<semaphore_mem>>)
      %dma_wait3A = arith.constant 0 : i32
      %dma_wait3A_52 = tpu.memref_slice %arg4[%add3A_26, %dma_wait3A] : memref<64x4096xi32, #tpu.memory_space<hbm>> -> memref<1x4096xi32, #tpu.memory_space<hbm>>
      %dma_wait3A_53 = tpu.memref_squeeze %dma_wait3A_52 : memref<1x4096xi32, #tpu.memory_space<hbm>> -> memref<4096xi32, #tpu.memory_space<hbm>>
      %dma_wait3A_54 = arith.constant 0 : i32
      %dma_wait3A_55 = tpu.memref_slice %arg4[%add3A_26, %dma_wait3A_54] : memref<64x4096xi32, #tpu.memory_space<hbm>> -> memref<1x4096xi32, #tpu.memory_space<hbm>>
      %dma_wait3A_56 = tpu.memref_squeeze %dma_wait3A_55 : memref<1x4096xi32, #tpu.memory_space<hbm>> -> memref<4096xi32, #tpu.memory_space<hbm>>
      tpu.wait_dma2 semaphore(%run_scoped3A : memref<!tpu.dma_semaphore, #tpu.memory_space<semaphore_mem>>) src(%arg7 : memref<4096xi32, #tpu.memory_space<vmem>>) dst(%dma_wait3A_56 : memref<4096xi32, #tpu.memory_space<hbm>>)
      tpu.yield
    }) : () -> ()
    %mul3A_33 = arith.constant 2 : i32
    %mul3A_34 = arith.muli %add3A, %mul3A_33 : i32
    %add3A_35 = arith.constant 1 : i32
    %add3A_36 = arith.addi %mul3A_34, %add3A_35 : i32
    %and3A_37 = arith.constant 15 : i32
    %and3A_38 = arith.andi %add3A_36, %and3A_37 : i32
    %broadcast_in_dim3A_39 = vector.broadcast %and3A_38 : i32 to vector<16x1xi32>
    %gather3A_40 = vector.shape_cast %broadcast_in_dim3A_39 : vector<16x1xi32> to vector<16xi32>
    %gather3A_41 = tpu.dynamic_gather %add3A_22[%gather3A_40] in [0] : vector<16xi32>, vector<16xi32> -> vector<16xi32>
    %scan3A_42 = arith.constant 0 : i32
    %scan3A_43 = arith.constant 256 : i32
    %scan3A_44 = arith.addi %scan3A_42, %scan3A_43 : i32
    %scan3A_45 = arith.constant 1 : i32
    scf.for %scan3A_47 = %scan3A_42 to %scan3A_44 step %scan3A_45  : i32 {
      %iota3A = tpu.iota {dimensions = array<i32: 0>} : vector<16xi32>
      %mul3A_48 = arith.constant 16 : i32
      %mul3A_49 = arith.muli %scan3A_47, %mul3A_48 : i32
      %add3A_50 = vector.broadcast %mul3A_49 : i32 to vector<16xi32>
      %add3A_51 = arith.addi %iota3A, %add3A_50 : vector<16xi32>
      %shift_right_arithmetic3A_52 = arith.constant 6 : i32
      %shift_right_arithmetic3A_53 = vector.broadcast %shift_right_arithmetic3A_52 : i32 to vector<16xi32>
      %shift_right_arithmetic3A_54 = arith.shrsi %add3A_51, %shift_right_arithmetic3A_53 : vector<16xi32>
      %mul3A_55 = arith.constant 128 : i32
      %mul3A_56 = vector.broadcast %mul3A_55 : i32 to vector<16xi32>
      %mul3A_57 = arith.muli %shift_right_arithmetic3A_54, %mul3A_56 : vector<16xi32>
      %and3A_58 = arith.constant 63 : i32
      %and3A_59 = vector.broadcast %and3A_58 : i32 to vector<16xi32>
      %and3A_60 = arith.andi %add3A_51, %and3A_59 : vector<16xi32>
      %add3A_61 = arith.addi %mul3A_57, %and3A_60 : vector<16xi32>
      %add3A_62 = arith.addi %add3A_61, %gather3A_41 : vector<16xi32>
      %mul3A_63 = arith.constant 16 : i32
      %mul3A_64 = arith.muli %scan3A_47, %mul3A_63 : i32
      %swap3A = arith.index_cast %mul3A_64 : i32 to index
      %swap3A_65 = tpu.vector_load %arg7[%swap3A] {strides = array<i32>} : memref<4096xi32, #tpu.memory_space<vmem>>, vector<16xi32>,
      %swap3A_66 = vector.shape_cast %swap3A_65 : vector<16xi32> to vector<16xi32>
      %swap3A_67 = vector.shape_cast %add3A_62 : vector<16xi32> to vector<16xi32>
      tpu.vector_store %arg7[%swap3A], %swap3A_67 {strides = array<i32>} : memref<4096xi32, #tpu.memory_space<vmem>>, vector<16xi32>,
    }
    %scan3A_46 = arith.constant 256 : i32
    "tpu.region"() ({
      %run_scoped3A = tpu.sem_alloc : memref<!tpu.dma_semaphore, #tpu.memory_space<semaphore_mem>>
      %dma_start3A = arith.constant 0 : i32
      %dma_start3A_47 = tpu.memref_slice %arg4[%add3A_36, %dma_start3A] : memref<64x4096xi32, #tpu.memory_space<hbm>> -> memref<1x4096xi32, #tpu.memory_space<hbm>>
      %dma_start3A_48 = tpu.memref_squeeze %dma_start3A_47 : memref<1x4096xi32, #tpu.memory_space<hbm>> -> memref<4096xi32, #tpu.memory_space<hbm>>
      %dma_start3A_49 = arith.constant 0 : i32
      %dma_start3A_50 = tpu.memref_slice %arg4[%add3A_36, %dma_start3A_49] : memref<64x4096xi32, #tpu.memory_space<hbm>> -> memref<1x4096xi32, #tpu.memory_space<hbm>>
      %dma_start3A_51 = tpu.memref_squeeze %dma_start3A_50 : memref<1x4096xi32, #tpu.memory_space<hbm>> -> memref<4096xi32, #tpu.memory_space<hbm>>
      tpu.enqueue_dma source(%arg7 : memref<4096xi32, #tpu.memory_space<vmem>>) target(%dma_start3A_51 : memref<4096xi32, #tpu.memory_space<hbm>>) target_semaphore(%run_scoped3A : memref<!tpu.dma_semaphore, #tpu.memory_space<semaphore_mem>>)
      %dma_wait3A = arith.constant 0 : i32
      %dma_wait3A_52 = tpu.memref_slice %arg4[%add3A_36, %dma_wait3A] : memref<64x4096xi32, #tpu.memory_space<hbm>> -> memref<1x4096xi32, #tpu.memory_space<hbm>>
      %dma_wait3A_53 = tpu.memref_squeeze %dma_wait3A_52 : memref<1x4096xi32, #tpu.memory_space<hbm>> -> memref<4096xi32, #tpu.memory_space<hbm>>
      %dma_wait3A_54 = arith.constant 0 : i32
      %dma_wait3A_55 = tpu.memref_slice %arg4[%add3A_36, %dma_wait3A_54] : memref<64x4096xi32, #tpu.memory_space<hbm>> -> memref<1x4096xi32, #tpu.memory_space<hbm>>
      %dma_wait3A_56 = tpu.memref_squeeze %dma_wait3A_55 : memref<1x4096xi32, #tpu.memory_space<hbm>> -> memref<4096xi32, #tpu.memory_space<hbm>>
      tpu.wait_dma2 semaphore(%run_scoped3A : memref<!tpu.dma_semaphore, #tpu.memory_space<semaphore_mem>>) src(%arg7 : memref<4096xi32, #tpu.memory_space<vmem>>) dst(%dma_wait3A_56 : memref<4096xi32, #tpu.memory_space<hbm>>)
      tpu.yield
    }) : () -> ()
    return
  }
}

module attributes {stable_mosaic.version = 14 : i64} {
  func.func @_body(%arg0: i32, %arg1: memref<8x3x256x256xf32, #tpu.memory_space<vmem>>, %arg2: memref<256x256xbf16, #tpu.memory_space<vmem>>, %arg3: memref<1536x2048xbf16, #tpu.memory_space<vmem>>, %arg4: memref<1x4096xf32, #tpu.memory_space<vmem>>, %arg5: memref<8x64x4096xf32, #tpu.memory_space<vmem>>) attributes {dimension_semantics = [#tpu.dimension_semantics<arbitrary>], iteration_bounds = array<i64: 8>, scalar_prefetch = 0 : i64, scratch_operands = 0 : i64, tpu.core_type = #tpu.core_type<tc>, window_params = [{transform_indices = @transform_0, window_bounds = array<i64: 8, 3, 256, 256>}, {pipeline_mode = #tpu.pipeline_mode<synchronous>, transform_indices = @transform_1, window_bounds = array<i64: 256, 256>}, {pipeline_mode = #tpu.pipeline_mode<synchronous>, transform_indices = @transform_2, window_bounds = array<i64: 1536, 2048>}, {pipeline_mode = #tpu.pipeline_mode<synchronous>, transform_indices = @transform_3, window_bounds = array<i64: 1, 4096>}, {transform_indices = @transform_4, window_bounds = array<i64: 8, 64, 4096>}]} {
    %get3A = arith.constant 0 : index
    %get3A_0 = arith.constant 0 : index
    %get3A_1 = arith.constant 0 : index
    %get3A_2 = arith.constant 0 : index
    %get3A_3 = vector.load %arg1[%get3A, %get3A_0, %get3A_1, %get3A_2] : memref<8x3x256x256xf32, #tpu.memory_space<vmem>>, vector<1x1x256x256xf32>
    %get3A_4 = vector.shape_cast %get3A_3 : vector<1x1x256x256xf32> to vector<256x256xf32>
    %convert_element_type3A = arith.truncf %get3A_4 : vector<256x256xf32> to vector<256x256xbf16>
    %get3A_5 = arith.constant 0 : index
    %get3A_6 = arith.constant 0 : index
    %get3A_7 = vector.load %arg2[%get3A_5, %get3A_6] : memref<256x256xbf16, #tpu.memory_space<vmem>>, vector<256x256xbf16>
    %dot_general3A = arith.constant dense<0.000000e+00> : vector<256x256xf32>
    %dot_general3A_8 = tpu.matmul %get3A_7, %convert_element_type3A, %dot_general3A {dimension_numbers = #tpu.dot_dimension_numbers<[1], [0], [0], [1], [0, 0, 1, 1], [], []>, transpose_lhs_hint = false} : vector<256x256xbf16>, vector<256x256xbf16>, vector<256x256xf32> -> vector<256x256xf32>
    %convert_element_type3A_9 = arith.truncf %dot_general3A_8 : vector<256x256xf32> to vector<256x256xbf16>
    %slice3A = vector.extract_strided_slice %convert_element_type3A_9 {offsets = [0, 0], sizes = [64, 128], strides = [1, 1]} : vector<256x256xbf16> to vector<64x128xbf16>
    %slice3A_10 = vector.extract_strided_slice %convert_element_type3A_9 {offsets = [0, 128], sizes = [64, 128], strides = [1, 1]} : vector<256x256xbf16> to vector<64x128xbf16>
    %slice3A_11 = vector.extract_strided_slice %convert_element_type3A_9 {offsets = [64, 0], sizes = [64, 128], strides = [1, 1]} : vector<256x256xbf16> to vector<64x128xbf16>
    %slice3A_12 = vector.extract_strided_slice %convert_element_type3A_9 {offsets = [64, 128], sizes = [64, 128], strides = [1, 1]} : vector<256x256xbf16> to vector<64x128xbf16>
    %slice3A_13 = vector.extract_strided_slice %convert_element_type3A_9 {offsets = [128, 0], sizes = [64, 128], strides = [1, 1]} : vector<256x256xbf16> to vector<64x128xbf16>
    %slice3A_14 = vector.extract_strided_slice %convert_element_type3A_9 {offsets = [128, 128], sizes = [64, 128], strides = [1, 1]} : vector<256x256xbf16> to vector<64x128xbf16>
    %slice3A_15 = vector.extract_strided_slice %convert_element_type3A_9 {offsets = [192, 0], sizes = [64, 128], strides = [1, 1]} : vector<256x256xbf16> to vector<64x128xbf16>
    %slice3A_16 = vector.extract_strided_slice %convert_element_type3A_9 {offsets = [192, 128], sizes = [64, 128], strides = [1, 1]} : vector<256x256xbf16> to vector<64x128xbf16>
    %get3A_17 = arith.constant 0 : index
    %get3A_18 = arith.constant 1 : index
    %get3A_19 = arith.constant 0 : index
    %get3A_20 = arith.constant 0 : index
    %get3A_21 = vector.load %arg1[%get3A_17, %get3A_18, %get3A_19, %get3A_20] : memref<8x3x256x256xf32, #tpu.memory_space<vmem>>, vector<1x1x256x256xf32>
    %get3A_22 = vector.shape_cast %get3A_21 : vector<1x1x256x256xf32> to vector<256x256xf32>
    %convert_element_type3A_23 = arith.truncf %get3A_22 : vector<256x256xf32> to vector<256x256xbf16>
    %get3A_24 = arith.constant 0 : index
    %get3A_25 = arith.constant 0 : index
    %get3A_26 = vector.load %arg2[%get3A_24, %get3A_25] : memref<256x256xbf16, #tpu.memory_space<vmem>>, vector<256x256xbf16>
    %dot_general3A_27 = arith.constant dense<0.000000e+00> : vector<256x256xf32>
    %dot_general3A_28 = tpu.matmul %get3A_26, %convert_element_type3A_23, %dot_general3A_27 {dimension_numbers = #tpu.dot_dimension_numbers<[1], [0], [0], [1], [0, 0, 1, 1], [], []>, transpose_lhs_hint = false} : vector<256x256xbf16>, vector<256x256xbf16>, vector<256x256xf32> -> vector<256x256xf32>
    %convert_element_type3A_29 = arith.truncf %dot_general3A_28 : vector<256x256xf32> to vector<256x256xbf16>
    %slice3A_30 = vector.extract_strided_slice %convert_element_type3A_29 {offsets = [0, 0], sizes = [64, 128], strides = [1, 1]} : vector<256x256xbf16> to vector<64x128xbf16>
    %slice3A_31 = vector.extract_strided_slice %convert_element_type3A_29 {offsets = [0, 128], sizes = [64, 128], strides = [1, 1]} : vector<256x256xbf16> to vector<64x128xbf16>
    %slice3A_32 = vector.extract_strided_slice %convert_element_type3A_29 {offsets = [64, 0], sizes = [64, 128], strides = [1, 1]} : vector<256x256xbf16> to vector<64x128xbf16>
    %slice3A_33 = vector.extract_strided_slice %convert_element_type3A_29 {offsets = [64, 128], sizes = [64, 128], strides = [1, 1]} : vector<256x256xbf16> to vector<64x128xbf16>
    %slice3A_34 = vector.extract_strided_slice %convert_element_type3A_29 {offsets = [128, 0], sizes = [64, 128], strides = [1, 1]} : vector<256x256xbf16> to vector<64x128xbf16>
    %slice3A_35 = vector.extract_strided_slice %convert_element_type3A_29 {offsets = [128, 128], sizes = [64, 128], strides = [1, 1]} : vector<256x256xbf16> to vector<64x128xbf16>
    %slice3A_36 = vector.extract_strided_slice %convert_element_type3A_29 {offsets = [192, 0], sizes = [64, 128], strides = [1, 1]} : vector<256x256xbf16> to vector<64x128xbf16>
    %slice3A_37 = vector.extract_strided_slice %convert_element_type3A_29 {offsets = [192, 128], sizes = [64, 128], strides = [1, 1]} : vector<256x256xbf16> to vector<64x128xbf16>
    %get3A_38 = arith.constant 0 : index
    %get3A_39 = arith.constant 2 : index
    %get3A_40 = arith.constant 0 : index
    %get3A_41 = arith.constant 0 : index
    %get3A_42 = vector.load %arg1[%get3A_38, %get3A_39, %get3A_40, %get3A_41] : memref<8x3x256x256xf32, #tpu.memory_space<vmem>>, vector<1x1x256x256xf32>
    %get3A_43 = vector.shape_cast %get3A_42 : vector<1x1x256x256xf32> to vector<256x256xf32>
    %convert_element_type3A_44 = arith.truncf %get3A_43 : vector<256x256xf32> to vector<256x256xbf16>
    %get3A_45 = arith.constant 0 : index
    %get3A_46 = arith.constant 0 : index
    %get3A_47 = vector.load %arg2[%get3A_45, %get3A_46] : memref<256x256xbf16, #tpu.memory_space<vmem>>, vector<256x256xbf16>
    %dot_general3A_48 = arith.constant dense<0.000000e+00> : vector<256x256xf32>
    %dot_general3A_49 = tpu.matmul %get3A_47, %convert_element_type3A_44, %dot_general3A_48 {dimension_numbers = #tpu.dot_dimension_numbers<[1], [0], [0], [1], [0, 0, 1, 1], [], []>, transpose_lhs_hint = false} : vector<256x256xbf16>, vector<256x256xbf16>, vector<256x256xf32> -> vector<256x256xf32>
    %convert_element_type3A_50 = arith.truncf %dot_general3A_49 : vector<256x256xf32> to vector<256x256xbf16>
    %slice3A_51 = vector.extract_strided_slice %convert_element_type3A_50 {offsets = [0, 0], sizes = [64, 128], strides = [1, 1]} : vector<256x256xbf16> to vector<64x128xbf16>
    %slice3A_52 = vector.extract_strided_slice %convert_element_type3A_50 {offsets = [0, 128], sizes = [64, 128], strides = [1, 1]} : vector<256x256xbf16> to vector<64x128xbf16>
    %slice3A_53 = vector.extract_strided_slice %convert_element_type3A_50 {offsets = [64, 0], sizes = [64, 128], strides = [1, 1]} : vector<256x256xbf16> to vector<64x128xbf16>
    %slice3A_54 = vector.extract_strided_slice %convert_element_type3A_50 {offsets = [64, 128], sizes = [64, 128], strides = [1, 1]} : vector<256x256xbf16> to vector<64x128xbf16>
    %slice3A_55 = vector.extract_strided_slice %convert_element_type3A_50 {offsets = [128, 0], sizes = [64, 128], strides = [1, 1]} : vector<256x256xbf16> to vector<64x128xbf16>
    %slice3A_56 = vector.extract_strided_slice %convert_element_type3A_50 {offsets = [128, 128], sizes = [64, 128], strides = [1, 1]} : vector<256x256xbf16> to vector<64x128xbf16>
    %slice3A_57 = vector.extract_strided_slice %convert_element_type3A_50 {offsets = [192, 0], sizes = [64, 128], strides = [1, 1]} : vector<256x256xbf16> to vector<64x128xbf16>
    %slice3A_58 = vector.extract_strided_slice %convert_element_type3A_50 {offsets = [192, 128], sizes = [64, 128], strides = [1, 1]} : vector<256x256xbf16> to vector<64x128xbf16>
    %get3A_59 = arith.constant 1 : index
    %get3A_60 = arith.constant 0 : index
    %get3A_61 = arith.constant 0 : index
    %get3A_62 = arith.constant 0 : index
    %get3A_63 = vector.load %arg1[%get3A_59, %get3A_60, %get3A_61, %get3A_62] : memref<8x3x256x256xf32, #tpu.memory_space<vmem>>, vector<1x1x256x256xf32>
    %get3A_64 = vector.shape_cast %get3A_63 : vector<1x1x256x256xf32> to vector<256x256xf32>
    %convert_element_type3A_65 = arith.truncf %get3A_64 : vector<256x256xf32> to vector<256x256xbf16>
    %get3A_66 = arith.constant 0 : index
    %get3A_67 = arith.constant 0 : index
    %get3A_68 = vector.load %arg2[%get3A_66, %get3A_67] : memref<256x256xbf16, #tpu.memory_space<vmem>>, vector<256x256xbf16>
    %dot_general3A_69 = arith.constant dense<0.000000e+00> : vector<256x256xf32>
    %dot_general3A_70 = tpu.matmul %get3A_68, %convert_element_type3A_65, %dot_general3A_69 {dimension_numbers = #tpu.dot_dimension_numbers<[1], [0], [0], [1], [0, 0, 1, 1], [], []>, transpose_lhs_hint = false} : vector<256x256xbf16>, vector<256x256xbf16>, vector<256x256xf32> -> vector<256x256xf32>
    %convert_element_type3A_71 = arith.truncf %dot_general3A_70 : vector<256x256xf32> to vector<256x256xbf16>
    %slice3A_72 = vector.extract_strided_slice %convert_element_type3A_71 {offsets = [0, 0], sizes = [64, 128], strides = [1, 1]} : vector<256x256xbf16> to vector<64x128xbf16>
    %slice3A_73 = vector.extract_strided_slice %convert_element_type3A_71 {offsets = [0, 128], sizes = [64, 128], strides = [1, 1]} : vector<256x256xbf16> to vector<64x128xbf16>
    %slice3A_74 = vector.extract_strided_slice %convert_element_type3A_71 {offsets = [64, 0], sizes = [64, 128], strides = [1, 1]} : vector<256x256xbf16> to vector<64x128xbf16>
    %slice3A_75 = vector.extract_strided_slice %convert_element_type3A_71 {offsets = [64, 128], sizes = [64, 128], strides = [1, 1]} : vector<256x256xbf16> to vector<64x128xbf16>
    %slice3A_76 = vector.extract_strided_slice %convert_element_type3A_71 {offsets = [128, 0], sizes = [64, 128], strides = [1, 1]} : vector<256x256xbf16> to vector<64x128xbf16>
    %slice3A_77 = vector.extract_strided_slice %convert_element_type3A_71 {offsets = [128, 128], sizes = [64, 128], strides = [1, 1]} : vector<256x256xbf16> to vector<64x128xbf16>
    %slice3A_78 = vector.extract_strided_slice %convert_element_type3A_71 {offsets = [192, 0], sizes = [64, 128], strides = [1, 1]} : vector<256x256xbf16> to vector<64x128xbf16>
    %slice3A_79 = vector.extract_strided_slice %convert_element_type3A_71 {offsets = [192, 128], sizes = [64, 128], strides = [1, 1]} : vector<256x256xbf16> to vector<64x128xbf16>
    %get3A_80 = arith.constant 1 : index
    %get3A_81 = arith.constant 1 : index
    %get3A_82 = arith.constant 0 : index
    %get3A_83 = arith.constant 0 : index
    %get3A_84 = vector.load %arg1[%get3A_80, %get3A_81, %get3A_82, %get3A_83] : memref<8x3x256x256xf32, #tpu.memory_space<vmem>>, vector<1x1x256x256xf32>
    %get3A_85 = vector.shape_cast %get3A_84 : vector<1x1x256x256xf32> to vector<256x256xf32>
    %convert_element_type3A_86 = arith.truncf %get3A_85 : vector<256x256xf32> to vector<256x256xbf16>
    %get3A_87 = arith.constant 0 : index
    %get3A_88 = arith.constant 0 : index
    %get3A_89 = vector.load %arg2[%get3A_87, %get3A_88] : memref<256x256xbf16, #tpu.memory_space<vmem>>, vector<256x256xbf16>
    %dot_general3A_90 = arith.constant dense<0.000000e+00> : vector<256x256xf32>
    %dot_general3A_91 = tpu.matmul %get3A_89, %convert_element_type3A_86, %dot_general3A_90 {dimension_numbers = #tpu.dot_dimension_numbers<[1], [0], [0], [1], [0, 0, 1, 1], [], []>, transpose_lhs_hint = false} : vector<256x256xbf16>, vector<256x256xbf16>, vector<256x256xf32> -> vector<256x256xf32>
    %convert_element_type3A_92 = arith.truncf %dot_general3A_91 : vector<256x256xf32> to vector<256x256xbf16>
    %slice3A_93 = vector.extract_strided_slice %convert_element_type3A_92 {offsets = [0, 0], sizes = [64, 128], strides = [1, 1]} : vector<256x256xbf16> to vector<64x128xbf16>
    %slice3A_94 = vector.extract_strided_slice %convert_element_type3A_92 {offsets = [0, 128], sizes = [64, 128], strides = [1, 1]} : vector<256x256xbf16> to vector<64x128xbf16>
    %slice3A_95 = vector.extract_strided_slice %convert_element_type3A_92 {offsets = [64, 0], sizes = [64, 128], strides = [1, 1]} : vector<256x256xbf16> to vector<64x128xbf16>
    %slice3A_96 = vector.extract_strided_slice %convert_element_type3A_92 {offsets = [64, 128], sizes = [64, 128], strides = [1, 1]} : vector<256x256xbf16> to vector<64x128xbf16>
    %slice3A_97 = vector.extract_strided_slice %convert_element_type3A_92 {offsets = [128, 0], sizes = [64, 128], strides = [1, 1]} : vector<256x256xbf16> to vector<64x128xbf16>
    %slice3A_98 = vector.extract_strided_slice %convert_element_type3A_92 {offsets = [128, 128], sizes = [64, 128], strides = [1, 1]} : vector<256x256xbf16> to vector<64x128xbf16>
    %slice3A_99 = vector.extract_strided_slice %convert_element_type3A_92 {offsets = [192, 0], sizes = [64, 128], strides = [1, 1]} : vector<256x256xbf16> to vector<64x128xbf16>
    %slice3A_100 = vector.extract_strided_slice %convert_element_type3A_92 {offsets = [192, 128], sizes = [64, 128], strides = [1, 1]} : vector<256x256xbf16> to vector<64x128xbf16>
    %get3A_101 = arith.constant 1 : index
    %get3A_102 = arith.constant 2 : index
    %get3A_103 = arith.constant 0 : index
    %get3A_104 = arith.constant 0 : index
    %get3A_105 = vector.load %arg1[%get3A_101, %get3A_102, %get3A_103, %get3A_104] : memref<8x3x256x256xf32, #tpu.memory_space<vmem>>, vector<1x1x256x256xf32>
    %get3A_106 = vector.shape_cast %get3A_105 : vector<1x1x256x256xf32> to vector<256x256xf32>
    %convert_element_type3A_107 = arith.truncf %get3A_106 : vector<256x256xf32> to vector<256x256xbf16>
    %get3A_108 = arith.constant 0 : index
    %get3A_109 = arith.constant 0 : index
    %get3A_110 = vector.load %arg2[%get3A_108, %get3A_109] : memref<256x256xbf16, #tpu.memory_space<vmem>>, vector<256x256xbf16>
    %dot_general3A_111 = arith.constant dense<0.000000e+00> : vector<256x256xf32>
    %dot_general3A_112 = tpu.matmul %get3A_110, %convert_element_type3A_107, %dot_general3A_111 {dimension_numbers = #tpu.dot_dimension_numbers<[1], [0], [0], [1], [0, 0, 1, 1], [], []>, transpose_lhs_hint = false} : vector<256x256xbf16>, vector<256x256xbf16>, vector<256x256xf32> -> vector<256x256xf32>
    %convert_element_type3A_113 = arith.truncf %dot_general3A_112 : vector<256x256xf32> to vector<256x256xbf16>
    %slice3A_114 = vector.extract_strided_slice %convert_element_type3A_113 {offsets = [0, 0], sizes = [64, 128], strides = [1, 1]} : vector<256x256xbf16> to vector<64x128xbf16>
    %slice3A_115 = vector.extract_strided_slice %convert_element_type3A_113 {offsets = [0, 128], sizes = [64, 128], strides = [1, 1]} : vector<256x256xbf16> to vector<64x128xbf16>
    %slice3A_116 = vector.extract_strided_slice %convert_element_type3A_113 {offsets = [64, 0], sizes = [64, 128], strides = [1, 1]} : vector<256x256xbf16> to vector<64x128xbf16>
    %slice3A_117 = vector.extract_strided_slice %convert_element_type3A_113 {offsets = [64, 128], sizes = [64, 128], strides = [1, 1]} : vector<256x256xbf16> to vector<64x128xbf16>
    %slice3A_118 = vector.extract_strided_slice %convert_element_type3A_113 {offsets = [128, 0], sizes = [64, 128], strides = [1, 1]} : vector<256x256xbf16> to vector<64x128xbf16>
    %slice3A_119 = vector.extract_strided_slice %convert_element_type3A_113 {offsets = [128, 128], sizes = [64, 128], strides = [1, 1]} : vector<256x256xbf16> to vector<64x128xbf16>
    %slice3A_120 = vector.extract_strided_slice %convert_element_type3A_113 {offsets = [192, 0], sizes = [64, 128], strides = [1, 1]} : vector<256x256xbf16> to vector<64x128xbf16>
    %slice3A_121 = vector.extract_strided_slice %convert_element_type3A_113 {offsets = [192, 128], sizes = [64, 128], strides = [1, 1]} : vector<256x256xbf16> to vector<64x128xbf16>
    %get3A_122 = arith.constant 2 : index
    %get3A_123 = arith.constant 0 : index
    %get3A_124 = arith.constant 0 : index
    %get3A_125 = arith.constant 0 : index
    %get3A_126 = vector.load %arg1[%get3A_122, %get3A_123, %get3A_124, %get3A_125] : memref<8x3x256x256xf32, #tpu.memory_space<vmem>>, vector<1x1x256x256xf32>
    %get3A_127 = vector.shape_cast %get3A_126 : vector<1x1x256x256xf32> to vector<256x256xf32>
    %convert_element_type3A_128 = arith.truncf %get3A_127 : vector<256x256xf32> to vector<256x256xbf16>
    %get3A_129 = arith.constant 0 : index
    %get3A_130 = arith.constant 0 : index
    %get3A_131 = vector.load %arg2[%get3A_129, %get3A_130] : memref<256x256xbf16, #tpu.memory_space<vmem>>, vector<256x256xbf16>
    %dot_general3A_132 = arith.constant dense<0.000000e+00> : vector<256x256xf32>
    %dot_general3A_133 = tpu.matmul %get3A_131, %convert_element_type3A_128, %dot_general3A_132 {dimension_numbers = #tpu.dot_dimension_numbers<[1], [0], [0], [1], [0, 0, 1, 1], [], []>, transpose_lhs_hint = false} : vector<256x256xbf16>, vector<256x256xbf16>, vector<256x256xf32> -> vector<256x256xf32>
    %convert_element_type3A_134 = arith.truncf %dot_general3A_133 : vector<256x256xf32> to vector<256x256xbf16>
    %slice3A_135 = vector.extract_strided_slice %convert_element_type3A_134 {offsets = [0, 0], sizes = [64, 128], strides = [1, 1]} : vector<256x256xbf16> to vector<64x128xbf16>
    %slice3A_136 = vector.extract_strided_slice %convert_element_type3A_134 {offsets = [0, 128], sizes = [64, 128], strides = [1, 1]} : vector<256x256xbf16> to vector<64x128xbf16>
    %slice3A_137 = vector.extract_strided_slice %convert_element_type3A_134 {offsets = [64, 0], sizes = [64, 128], strides = [1, 1]} : vector<256x256xbf16> to vector<64x128xbf16>
    %slice3A_138 = vector.extract_strided_slice %convert_element_type3A_134 {offsets = [64, 128], sizes = [64, 128], strides = [1, 1]} : vector<256x256xbf16> to vector<64x128xbf16>
    %slice3A_139 = vector.extract_strided_slice %convert_element_type3A_134 {offsets = [128, 0], sizes = [64, 128], strides = [1, 1]} : vector<256x256xbf16> to vector<64x128xbf16>
    %slice3A_140 = vector.extract_strided_slice %convert_element_type3A_134 {offsets = [128, 128], sizes = [64, 128], strides = [1, 1]} : vector<256x256xbf16> to vector<64x128xbf16>
    %slice3A_141 = vector.extract_strided_slice %convert_element_type3A_134 {offsets = [192, 0], sizes = [64, 128], strides = [1, 1]} : vector<256x256xbf16> to vector<64x128xbf16>
    %slice3A_142 = vector.extract_strided_slice %convert_element_type3A_134 {offsets = [192, 128], sizes = [64, 128], strides = [1, 1]} : vector<256x256xbf16> to vector<64x128xbf16>
    %get3A_143 = arith.constant 2 : index
    %get3A_144 = arith.constant 1 : index
    %get3A_145 = arith.constant 0 : index
    %get3A_146 = arith.constant 0 : index
    %get3A_147 = vector.load %arg1[%get3A_143, %get3A_144, %get3A_145, %get3A_146] : memref<8x3x256x256xf32, #tpu.memory_space<vmem>>, vector<1x1x256x256xf32>
    %get3A_148 = vector.shape_cast %get3A_147 : vector<1x1x256x256xf32> to vector<256x256xf32>
    %convert_element_type3A_149 = arith.truncf %get3A_148 : vector<256x256xf32> to vector<256x256xbf16>
    %get3A_150 = arith.constant 0 : index
    %get3A_151 = arith.constant 0 : index
    %get3A_152 = vector.load %arg2[%get3A_150, %get3A_151] : memref<256x256xbf16, #tpu.memory_space<vmem>>, vector<256x256xbf16>
    %dot_general3A_153 = arith.constant dense<0.000000e+00> : vector<256x256xf32>
    %dot_general3A_154 = tpu.matmul %get3A_152, %convert_element_type3A_149, %dot_general3A_153 {dimension_numbers = #tpu.dot_dimension_numbers<[1], [0], [0], [1], [0, 0, 1, 1], [], []>, transpose_lhs_hint = false} : vector<256x256xbf16>, vector<256x256xbf16>, vector<256x256xf32> -> vector<256x256xf32>
    %convert_element_type3A_155 = arith.truncf %dot_general3A_154 : vector<256x256xf32> to vector<256x256xbf16>
    %slice3A_156 = vector.extract_strided_slice %convert_element_type3A_155 {offsets = [0, 0], sizes = [64, 128], strides = [1, 1]} : vector<256x256xbf16> to vector<64x128xbf16>
    %slice3A_157 = vector.extract_strided_slice %convert_element_type3A_155 {offsets = [0, 128], sizes = [64, 128], strides = [1, 1]} : vector<256x256xbf16> to vector<64x128xbf16>
    %slice3A_158 = vector.extract_strided_slice %convert_element_type3A_155 {offsets = [64, 0], sizes = [64, 128], strides = [1, 1]} : vector<256x256xbf16> to vector<64x128xbf16>
    %slice3A_159 = vector.extract_strided_slice %convert_element_type3A_155 {offsets = [64, 128], sizes = [64, 128], strides = [1, 1]} : vector<256x256xbf16> to vector<64x128xbf16>
    %slice3A_160 = vector.extract_strided_slice %convert_element_type3A_155 {offsets = [128, 0], sizes = [64, 128], strides = [1, 1]} : vector<256x256xbf16> to vector<64x128xbf16>
    %slice3A_161 = vector.extract_strided_slice %convert_element_type3A_155 {offsets = [128, 128], sizes = [64, 128], strides = [1, 1]} : vector<256x256xbf16> to vector<64x128xbf16>
    %slice3A_162 = vector.extract_strided_slice %convert_element_type3A_155 {offsets = [192, 0], sizes = [64, 128], strides = [1, 1]} : vector<256x256xbf16> to vector<64x128xbf16>
    %slice3A_163 = vector.extract_strided_slice %convert_element_type3A_155 {offsets = [192, 128], sizes = [64, 128], strides = [1, 1]} : vector<256x256xbf16> to vector<64x128xbf16>
    %get3A_164 = arith.constant 2 : index
    %get3A_165 = arith.constant 2 : index
    %get3A_166 = arith.constant 0 : index
    %get3A_167 = arith.constant 0 : index
    %get3A_168 = vector.load %arg1[%get3A_164, %get3A_165, %get3A_166, %get3A_167] : memref<8x3x256x256xf32, #tpu.memory_space<vmem>>, vector<1x1x256x256xf32>
    %get3A_169 = vector.shape_cast %get3A_168 : vector<1x1x256x256xf32> to vector<256x256xf32>
    %convert_element_type3A_170 = arith.truncf %get3A_169 : vector<256x256xf32> to vector<256x256xbf16>
    %get3A_171 = arith.constant 0 : index
    %get3A_172 = arith.constant 0 : index
    %get3A_173 = vector.load %arg2[%get3A_171, %get3A_172] : memref<256x256xbf16, #tpu.memory_space<vmem>>, vector<256x256xbf16>
    %dot_general3A_174 = arith.constant dense<0.000000e+00> : vector<256x256xf32>
    %dot_general3A_175 = tpu.matmul %get3A_173, %convert_element_type3A_170, %dot_general3A_174 {dimension_numbers = #tpu.dot_dimension_numbers<[1], [0], [0], [1], [0, 0, 1, 1], [], []>, transpose_lhs_hint = false} : vector<256x256xbf16>, vector<256x256xbf16>, vector<256x256xf32> -> vector<256x256xf32>
    %convert_element_type3A_176 = arith.truncf %dot_general3A_175 : vector<256x256xf32> to vector<256x256xbf16>
    %slice3A_177 = vector.extract_strided_slice %convert_element_type3A_176 {offsets = [0, 0], sizes = [64, 128], strides = [1, 1]} : vector<256x256xbf16> to vector<64x128xbf16>
    %slice3A_178 = vector.extract_strided_slice %convert_element_type3A_176 {offsets = [0, 128], sizes = [64, 128], strides = [1, 1]} : vector<256x256xbf16> to vector<64x128xbf16>
    %slice3A_179 = vector.extract_strided_slice %convert_element_type3A_176 {offsets = [64, 0], sizes = [64, 128], strides = [1, 1]} : vector<256x256xbf16> to vector<64x128xbf16>
    %slice3A_180 = vector.extract_strided_slice %convert_element_type3A_176 {offsets = [64, 128], sizes = [64, 128], strides = [1, 1]} : vector<256x256xbf16> to vector<64x128xbf16>
    %slice3A_181 = vector.extract_strided_slice %convert_element_type3A_176 {offsets = [128, 0], sizes = [64, 128], strides = [1, 1]} : vector<256x256xbf16> to vector<64x128xbf16>
    %slice3A_182 = vector.extract_strided_slice %convert_element_type3A_176 {offsets = [128, 128], sizes = [64, 128], strides = [1, 1]} : vector<256x256xbf16> to vector<64x128xbf16>
    %slice3A_183 = vector.extract_strided_slice %convert_element_type3A_176 {offsets = [192, 0], sizes = [64, 128], strides = [1, 1]} : vector<256x256xbf16> to vector<64x128xbf16>
    %slice3A_184 = vector.extract_strided_slice %convert_element_type3A_176 {offsets = [192, 128], sizes = [64, 128], strides = [1, 1]} : vector<256x256xbf16> to vector<64x128xbf16>
    %get3A_185 = arith.constant 3 : index
    %get3A_186 = arith.constant 0 : index
    %get3A_187 = arith.constant 0 : index
    %get3A_188 = arith.constant 0 : index
    %get3A_189 = vector.load %arg1[%get3A_185, %get3A_186, %get3A_187, %get3A_188] : memref<8x3x256x256xf32, #tpu.memory_space<vmem>>, vector<1x1x256x256xf32>
    %get3A_190 = vector.shape_cast %get3A_189 : vector<1x1x256x256xf32> to vector<256x256xf32>
    %convert_element_type3A_191 = arith.truncf %get3A_190 : vector<256x256xf32> to vector<256x256xbf16>
    %get3A_192 = arith.constant 0 : index
    %get3A_193 = arith.constant 0 : index
    %get3A_194 = vector.load %arg2[%get3A_192, %get3A_193] : memref<256x256xbf16, #tpu.memory_space<vmem>>, vector<256x256xbf16>
    %dot_general3A_195 = arith.constant dense<0.000000e+00> : vector<256x256xf32>
    %dot_general3A_196 = tpu.matmul %get3A_194, %convert_element_type3A_191, %dot_general3A_195 {dimension_numbers = #tpu.dot_dimension_numbers<[1], [0], [0], [1], [0, 0, 1, 1], [], []>, transpose_lhs_hint = false} : vector<256x256xbf16>, vector<256x256xbf16>, vector<256x256xf32> -> vector<256x256xf32>
    %convert_element_type3A_197 = arith.truncf %dot_general3A_196 : vector<256x256xf32> to vector<256x256xbf16>
    %slice3A_198 = vector.extract_strided_slice %convert_element_type3A_197 {offsets = [0, 0], sizes = [64, 128], strides = [1, 1]} : vector<256x256xbf16> to vector<64x128xbf16>
    %slice3A_199 = vector.extract_strided_slice %convert_element_type3A_197 {offsets = [0, 128], sizes = [64, 128], strides = [1, 1]} : vector<256x256xbf16> to vector<64x128xbf16>
    %slice3A_200 = vector.extract_strided_slice %convert_element_type3A_197 {offsets = [64, 0], sizes = [64, 128], strides = [1, 1]} : vector<256x256xbf16> to vector<64x128xbf16>
    %slice3A_201 = vector.extract_strided_slice %convert_element_type3A_197 {offsets = [64, 128], sizes = [64, 128], strides = [1, 1]} : vector<256x256xbf16> to vector<64x128xbf16>
    %slice3A_202 = vector.extract_strided_slice %convert_element_type3A_197 {offsets = [128, 0], sizes = [64, 128], strides = [1, 1]} : vector<256x256xbf16> to vector<64x128xbf16>
    %slice3A_203 = vector.extract_strided_slice %convert_element_type3A_197 {offsets = [128, 128], sizes = [64, 128], strides = [1, 1]} : vector<256x256xbf16> to vector<64x128xbf16>
    %slice3A_204 = vector.extract_strided_slice %convert_element_type3A_197 {offsets = [192, 0], sizes = [64, 128], strides = [1, 1]} : vector<256x256xbf16> to vector<64x128xbf16>
    %slice3A_205 = vector.extract_strided_slice %convert_element_type3A_197 {offsets = [192, 128], sizes = [64, 128], strides = [1, 1]} : vector<256x256xbf16> to vector<64x128xbf16>
    %get3A_206 = arith.constant 3 : index
    %get3A_207 = arith.constant 1 : index
    %get3A_208 = arith.constant 0 : index
    %get3A_209 = arith.constant 0 : index
    %get3A_210 = vector.load %arg1[%get3A_206, %get3A_207, %get3A_208, %get3A_209] : memref<8x3x256x256xf32, #tpu.memory_space<vmem>>, vector<1x1x256x256xf32>
    %get3A_211 = vector.shape_cast %get3A_210 : vector<1x1x256x256xf32> to vector<256x256xf32>
    %convert_element_type3A_212 = arith.truncf %get3A_211 : vector<256x256xf32> to vector<256x256xbf16>
    %get3A_213 = arith.constant 0 : index
    %get3A_214 = arith.constant 0 : index
    %get3A_215 = vector.load %arg2[%get3A_213, %get3A_214] : memref<256x256xbf16, #tpu.memory_space<vmem>>, vector<256x256xbf16>
    %dot_general3A_216 = arith.constant dense<0.000000e+00> : vector<256x256xf32>
    %dot_general3A_217 = tpu.matmul %get3A_215, %convert_element_type3A_212, %dot_general3A_216 {dimension_numbers = #tpu.dot_dimension_numbers<[1], [0], [0], [1], [0, 0, 1, 1], [], []>, transpose_lhs_hint = false} : vector<256x256xbf16>, vector<256x256xbf16>, vector<256x256xf32> -> vector<256x256xf32>
    %convert_element_type3A_218 = arith.truncf %dot_general3A_217 : vector<256x256xf32> to vector<256x256xbf16>
    %slice3A_219 = vector.extract_strided_slice %convert_element_type3A_218 {offsets = [0, 0], sizes = [64, 128], strides = [1, 1]} : vector<256x256xbf16> to vector<64x128xbf16>
    %slice3A_220 = vector.extract_strided_slice %convert_element_type3A_218 {offsets = [0, 128], sizes = [64, 128], strides = [1, 1]} : vector<256x256xbf16> to vector<64x128xbf16>
    %slice3A_221 = vector.extract_strided_slice %convert_element_type3A_218 {offsets = [64, 0], sizes = [64, 128], strides = [1, 1]} : vector<256x256xbf16> to vector<64x128xbf16>
    %slice3A_222 = vector.extract_strided_slice %convert_element_type3A_218 {offsets = [64, 128], sizes = [64, 128], strides = [1, 1]} : vector<256x256xbf16> to vector<64x128xbf16>
    %slice3A_223 = vector.extract_strided_slice %convert_element_type3A_218 {offsets = [128, 0], sizes = [64, 128], strides = [1, 1]} : vector<256x256xbf16> to vector<64x128xbf16>
    %slice3A_224 = vector.extract_strided_slice %convert_element_type3A_218 {offsets = [128, 128], sizes = [64, 128], strides = [1, 1]} : vector<256x256xbf16> to vector<64x128xbf16>
    %slice3A_225 = vector.extract_strided_slice %convert_element_type3A_218 {offsets = [192, 0], sizes = [64, 128], strides = [1, 1]} : vector<256x256xbf16> to vector<64x128xbf16>
    %slice3A_226 = vector.extract_strided_slice %convert_element_type3A_218 {offsets = [192, 128], sizes = [64, 128], strides = [1, 1]} : vector<256x256xbf16> to vector<64x128xbf16>
    %get3A_227 = arith.constant 3 : index
    %get3A_228 = arith.constant 2 : index
    %get3A_229 = arith.constant 0 : index
    %get3A_230 = arith.constant 0 : index
    %get3A_231 = vector.load %arg1[%get3A_227, %get3A_228, %get3A_229, %get3A_230] : memref<8x3x256x256xf32, #tpu.memory_space<vmem>>, vector<1x1x256x256xf32>
    %get3A_232 = vector.shape_cast %get3A_231 : vector<1x1x256x256xf32> to vector<256x256xf32>
    %convert_element_type3A_233 = arith.truncf %get3A_232 : vector<256x256xf32> to vector<256x256xbf16>
    %get3A_234 = arith.constant 0 : index
    %get3A_235 = arith.constant 0 : index
    %get3A_236 = vector.load %arg2[%get3A_234, %get3A_235] : memref<256x256xbf16, #tpu.memory_space<vmem>>, vector<256x256xbf16>
    %dot_general3A_237 = arith.constant dense<0.000000e+00> : vector<256x256xf32>
    %dot_general3A_238 = tpu.matmul %get3A_236, %convert_element_type3A_233, %dot_general3A_237 {dimension_numbers = #tpu.dot_dimension_numbers<[1], [0], [0], [1], [0, 0, 1, 1], [], []>, transpose_lhs_hint = false} : vector<256x256xbf16>, vector<256x256xbf16>, vector<256x256xf32> -> vector<256x256xf32>
    %convert_element_type3A_239 = arith.truncf %dot_general3A_238 : vector<256x256xf32> to vector<256x256xbf16>
    %slice3A_240 = vector.extract_strided_slice %convert_element_type3A_239 {offsets = [0, 0], sizes = [64, 128], strides = [1, 1]} : vector<256x256xbf16> to vector<64x128xbf16>
    %slice3A_241 = vector.extract_strided_slice %convert_element_type3A_239 {offsets = [0, 128], sizes = [64, 128], strides = [1, 1]} : vector<256x256xbf16> to vector<64x128xbf16>
    %slice3A_242 = vector.extract_strided_slice %convert_element_type3A_239 {offsets = [64, 0], sizes = [64, 128], strides = [1, 1]} : vector<256x256xbf16> to vector<64x128xbf16>
    %slice3A_243 = vector.extract_strided_slice %convert_element_type3A_239 {offsets = [64, 128], sizes = [64, 128], strides = [1, 1]} : vector<256x256xbf16> to vector<64x128xbf16>
    %slice3A_244 = vector.extract_strided_slice %convert_element_type3A_239 {offsets = [128, 0], sizes = [64, 128], strides = [1, 1]} : vector<256x256xbf16> to vector<64x128xbf16>
    %slice3A_245 = vector.extract_strided_slice %convert_element_type3A_239 {offsets = [128, 128], sizes = [64, 128], strides = [1, 1]} : vector<256x256xbf16> to vector<64x128xbf16>
    %slice3A_246 = vector.extract_strided_slice %convert_element_type3A_239 {offsets = [192, 0], sizes = [64, 128], strides = [1, 1]} : vector<256x256xbf16> to vector<64x128xbf16>
    %slice3A_247 = vector.extract_strided_slice %convert_element_type3A_239 {offsets = [192, 128], sizes = [64, 128], strides = [1, 1]} : vector<256x256xbf16> to vector<64x128xbf16>
    %get3A_248 = arith.constant 4 : index
    %get3A_249 = arith.constant 0 : index
    %get3A_250 = arith.constant 0 : index
    %get3A_251 = arith.constant 0 : index
    %get3A_252 = vector.load %arg1[%get3A_248, %get3A_249, %get3A_250, %get3A_251] : memref<8x3x256x256xf32, #tpu.memory_space<vmem>>, vector<1x1x256x256xf32>
    %get3A_253 = vector.shape_cast %get3A_252 : vector<1x1x256x256xf32> to vector<256x256xf32>
    %convert_element_type3A_254 = arith.truncf %get3A_253 : vector<256x256xf32> to vector<256x256xbf16>
    %get3A_255 = arith.constant 0 : index
    %get3A_256 = arith.constant 0 : index
    %get3A_257 = vector.load %arg2[%get3A_255, %get3A_256] : memref<256x256xbf16, #tpu.memory_space<vmem>>, vector<256x256xbf16>
    %dot_general3A_258 = arith.constant dense<0.000000e+00> : vector<256x256xf32>
    %dot_general3A_259 = tpu.matmul %get3A_257, %convert_element_type3A_254, %dot_general3A_258 {dimension_numbers = #tpu.dot_dimension_numbers<[1], [0], [0], [1], [0, 0, 1, 1], [], []>, transpose_lhs_hint = false} : vector<256x256xbf16>, vector<256x256xbf16>, vector<256x256xf32> -> vector<256x256xf32>
    %convert_element_type3A_260 = arith.truncf %dot_general3A_259 : vector<256x256xf32> to vector<256x256xbf16>
    %slice3A_261 = vector.extract_strided_slice %convert_element_type3A_260 {offsets = [0, 0], sizes = [64, 128], strides = [1, 1]} : vector<256x256xbf16> to vector<64x128xbf16>
    %slice3A_262 = vector.extract_strided_slice %convert_element_type3A_260 {offsets = [0, 128], sizes = [64, 128], strides = [1, 1]} : vector<256x256xbf16> to vector<64x128xbf16>
    %slice3A_263 = vector.extract_strided_slice %convert_element_type3A_260 {offsets = [64, 0], sizes = [64, 128], strides = [1, 1]} : vector<256x256xbf16> to vector<64x128xbf16>
    %slice3A_264 = vector.extract_strided_slice %convert_element_type3A_260 {offsets = [64, 128], sizes = [64, 128], strides = [1, 1]} : vector<256x256xbf16> to vector<64x128xbf16>
    %slice3A_265 = vector.extract_strided_slice %convert_element_type3A_260 {offsets = [128, 0], sizes = [64, 128], strides = [1, 1]} : vector<256x256xbf16> to vector<64x128xbf16>
    %slice3A_266 = vector.extract_strided_slice %convert_element_type3A_260 {offsets = [128, 128], sizes = [64, 128], strides = [1, 1]} : vector<256x256xbf16> to vector<64x128xbf16>
    %slice3A_267 = vector.extract_strided_slice %convert_element_type3A_260 {offsets = [192, 0], sizes = [64, 128], strides = [1, 1]} : vector<256x256xbf16> to vector<64x128xbf16>
    %slice3A_268 = vector.extract_strided_slice %convert_element_type3A_260 {offsets = [192, 128], sizes = [64, 128], strides = [1, 1]} : vector<256x256xbf16> to vector<64x128xbf16>
    %get3A_269 = arith.constant 4 : index
    %get3A_270 = arith.constant 1 : index
    %get3A_271 = arith.constant 0 : index
    %get3A_272 = arith.constant 0 : index
    %get3A_273 = vector.load %arg1[%get3A_269, %get3A_270, %get3A_271, %get3A_272] : memref<8x3x256x256xf32, #tpu.memory_space<vmem>>, vector<1x1x256x256xf32>
    %get3A_274 = vector.shape_cast %get3A_273 : vector<1x1x256x256xf32> to vector<256x256xf32>
    %convert_element_type3A_275 = arith.truncf %get3A_274 : vector<256x256xf32> to vector<256x256xbf16>
    %get3A_276 = arith.constant 0 : index
    %get3A_277 = arith.constant 0 : index
    %get3A_278 = vector.load %arg2[%get3A_276, %get3A_277] : memref<256x256xbf16, #tpu.memory_space<vmem>>, vector<256x256xbf16>
    %dot_general3A_279 = arith.constant dense<0.000000e+00> : vector<256x256xf32>
    %dot_general3A_280 = tpu.matmul %get3A_278, %convert_element_type3A_275, %dot_general3A_279 {dimension_numbers = #tpu.dot_dimension_numbers<[1], [0], [0], [1], [0, 0, 1, 1], [], []>, transpose_lhs_hint = false} : vector<256x256xbf16>, vector<256x256xbf16>, vector<256x256xf32> -> vector<256x256xf32>
    %convert_element_type3A_281 = arith.truncf %dot_general3A_280 : vector<256x256xf32> to vector<256x256xbf16>
    %slice3A_282 = vector.extract_strided_slice %convert_element_type3A_281 {offsets = [0, 0], sizes = [64, 128], strides = [1, 1]} : vector<256x256xbf16> to vector<64x128xbf16>
    %slice3A_283 = vector.extract_strided_slice %convert_element_type3A_281 {offsets = [0, 128], sizes = [64, 128], strides = [1, 1]} : vector<256x256xbf16> to vector<64x128xbf16>
    %slice3A_284 = vector.extract_strided_slice %convert_element_type3A_281 {offsets = [64, 0], sizes = [64, 128], strides = [1, 1]} : vector<256x256xbf16> to vector<64x128xbf16>
    %slice3A_285 = vector.extract_strided_slice %convert_element_type3A_281 {offsets = [64, 128], sizes = [64, 128], strides = [1, 1]} : vector<256x256xbf16> to vector<64x128xbf16>
    %slice3A_286 = vector.extract_strided_slice %convert_element_type3A_281 {offsets = [128, 0], sizes = [64, 128], strides = [1, 1]} : vector<256x256xbf16> to vector<64x128xbf16>
    %slice3A_287 = vector.extract_strided_slice %convert_element_type3A_281 {offsets = [128, 128], sizes = [64, 128], strides = [1, 1]} : vector<256x256xbf16> to vector<64x128xbf16>
    %slice3A_288 = vector.extract_strided_slice %convert_element_type3A_281 {offsets = [192, 0], sizes = [64, 128], strides = [1, 1]} : vector<256x256xbf16> to vector<64x128xbf16>
    %slice3A_289 = vector.extract_strided_slice %convert_element_type3A_281 {offsets = [192, 128], sizes = [64, 128], strides = [1, 1]} : vector<256x256xbf16> to vector<64x128xbf16>
    %get3A_290 = arith.constant 4 : index
    %get3A_291 = arith.constant 2 : index
    %get3A_292 = arith.constant 0 : index
    %get3A_293 = arith.constant 0 : index
    %get3A_294 = vector.load %arg1[%get3A_290, %get3A_291, %get3A_292, %get3A_293] : memref<8x3x256x256xf32, #tpu.memory_space<vmem>>, vector<1x1x256x256xf32>
    %get3A_295 = vector.shape_cast %get3A_294 : vector<1x1x256x256xf32> to vector<256x256xf32>
    %convert_element_type3A_296 = arith.truncf %get3A_295 : vector<256x256xf32> to vector<256x256xbf16>
    %get3A_297 = arith.constant 0 : index
    %get3A_298 = arith.constant 0 : index
    %get3A_299 = vector.load %arg2[%get3A_297, %get3A_298] : memref<256x256xbf16, #tpu.memory_space<vmem>>, vector<256x256xbf16>
    %dot_general3A_300 = arith.constant dense<0.000000e+00> : vector<256x256xf32>
    %dot_general3A_301 = tpu.matmul %get3A_299, %convert_element_type3A_296, %dot_general3A_300 {dimension_numbers = #tpu.dot_dimension_numbers<[1], [0], [0], [1], [0, 0, 1, 1], [], []>, transpose_lhs_hint = false} : vector<256x256xbf16>, vector<256x256xbf16>, vector<256x256xf32> -> vector<256x256xf32>
    %convert_element_type3A_302 = arith.truncf %dot_general3A_301 : vector<256x256xf32> to vector<256x256xbf16>
    %slice3A_303 = vector.extract_strided_slice %convert_element_type3A_302 {offsets = [0, 0], sizes = [64, 128], strides = [1, 1]} : vector<256x256xbf16> to vector<64x128xbf16>
    %slice3A_304 = vector.extract_strided_slice %convert_element_type3A_302 {offsets = [0, 128], sizes = [64, 128], strides = [1, 1]} : vector<256x256xbf16> to vector<64x128xbf16>
    %slice3A_305 = vector.extract_strided_slice %convert_element_type3A_302 {offsets = [64, 0], sizes = [64, 128], strides = [1, 1]} : vector<256x256xbf16> to vector<64x128xbf16>
    %slice3A_306 = vector.extract_strided_slice %convert_element_type3A_302 {offsets = [64, 128], sizes = [64, 128], strides = [1, 1]} : vector<256x256xbf16> to vector<64x128xbf16>
    %slice3A_307 = vector.extract_strided_slice %convert_element_type3A_302 {offsets = [128, 0], sizes = [64, 128], strides = [1, 1]} : vector<256x256xbf16> to vector<64x128xbf16>
    %slice3A_308 = vector.extract_strided_slice %convert_element_type3A_302 {offsets = [128, 128], sizes = [64, 128], strides = [1, 1]} : vector<256x256xbf16> to vector<64x128xbf16>
    %slice3A_309 = vector.extract_strided_slice %convert_element_type3A_302 {offsets = [192, 0], sizes = [64, 128], strides = [1, 1]} : vector<256x256xbf16> to vector<64x128xbf16>
    %slice3A_310 = vector.extract_strided_slice %convert_element_type3A_302 {offsets = [192, 128], sizes = [64, 128], strides = [1, 1]} : vector<256x256xbf16> to vector<64x128xbf16>
    %get3A_311 = arith.constant 5 : index
    %get3A_312 = arith.constant 0 : index
    %get3A_313 = arith.constant 0 : index
    %get3A_314 = arith.constant 0 : index
    %get3A_315 = vector.load %arg1[%get3A_311, %get3A_312, %get3A_313, %get3A_314] : memref<8x3x256x256xf32, #tpu.memory_space<vmem>>, vector<1x1x256x256xf32>
    %get3A_316 = vector.shape_cast %get3A_315 : vector<1x1x256x256xf32> to vector<256x256xf32>
    %convert_element_type3A_317 = arith.truncf %get3A_316 : vector<256x256xf32> to vector<256x256xbf16>
    %get3A_318 = arith.constant 0 : index
    %get3A_319 = arith.constant 0 : index
    %get3A_320 = vector.load %arg2[%get3A_318, %get3A_319] : memref<256x256xbf16, #tpu.memory_space<vmem>>, vector<256x256xbf16>
    %dot_general3A_321 = arith.constant dense<0.000000e+00> : vector<256x256xf32>
    %dot_general3A_322 = tpu.matmul %get3A_320, %convert_element_type3A_317, %dot_general3A_321 {dimension_numbers = #tpu.dot_dimension_numbers<[1], [0], [0], [1], [0, 0, 1, 1], [], []>, transpose_lhs_hint = false} : vector<256x256xbf16>, vector<256x256xbf16>, vector<256x256xf32> -> vector<256x256xf32>
    %convert_element_type3A_323 = arith.truncf %dot_general3A_322 : vector<256x256xf32> to vector<256x256xbf16>
    %slice3A_324 = vector.extract_strided_slice %convert_element_type3A_323 {offsets = [0, 0], sizes = [64, 128], strides = [1, 1]} : vector<256x256xbf16> to vector<64x128xbf16>
    %slice3A_325 = vector.extract_strided_slice %convert_element_type3A_323 {offsets = [0, 128], sizes = [64, 128], strides = [1, 1]} : vector<256x256xbf16> to vector<64x128xbf16>
    %slice3A_326 = vector.extract_strided_slice %convert_element_type3A_323 {offsets = [64, 0], sizes = [64, 128], strides = [1, 1]} : vector<256x256xbf16> to vector<64x128xbf16>
    %slice3A_327 = vector.extract_strided_slice %convert_element_type3A_323 {offsets = [64, 128], sizes = [64, 128], strides = [1, 1]} : vector<256x256xbf16> to vector<64x128xbf16>
    %slice3A_328 = vector.extract_strided_slice %convert_element_type3A_323 {offsets = [128, 0], sizes = [64, 128], strides = [1, 1]} : vector<256x256xbf16> to vector<64x128xbf16>
    %slice3A_329 = vector.extract_strided_slice %convert_element_type3A_323 {offsets = [128, 128], sizes = [64, 128], strides = [1, 1]} : vector<256x256xbf16> to vector<64x128xbf16>
    %slice3A_330 = vector.extract_strided_slice %convert_element_type3A_323 {offsets = [192, 0], sizes = [64, 128], strides = [1, 1]} : vector<256x256xbf16> to vector<64x128xbf16>
    %slice3A_331 = vector.extract_strided_slice %convert_element_type3A_323 {offsets = [192, 128], sizes = [64, 128], strides = [1, 1]} : vector<256x256xbf16> to vector<64x128xbf16>
    %get3A_332 = arith.constant 5 : index
    %get3A_333 = arith.constant 1 : index
    %get3A_334 = arith.constant 0 : index
    %get3A_335 = arith.constant 0 : index
    %get3A_336 = vector.load %arg1[%get3A_332, %get3A_333, %get3A_334, %get3A_335] : memref<8x3x256x256xf32, #tpu.memory_space<vmem>>, vector<1x1x256x256xf32>
    %get3A_337 = vector.shape_cast %get3A_336 : vector<1x1x256x256xf32> to vector<256x256xf32>
    %convert_element_type3A_338 = arith.truncf %get3A_337 : vector<256x256xf32> to vector<256x256xbf16>
    %get3A_339 = arith.constant 0 : index
    %get3A_340 = arith.constant 0 : index
    %get3A_341 = vector.load %arg2[%get3A_339, %get3A_340] : memref<256x256xbf16, #tpu.memory_space<vmem>>, vector<256x256xbf16>
    %dot_general3A_342 = arith.constant dense<0.000000e+00> : vector<256x256xf32>
    %dot_general3A_343 = tpu.matmul %get3A_341, %convert_element_type3A_338, %dot_general3A_342 {dimension_numbers = #tpu.dot_dimension_numbers<[1], [0], [0], [1], [0, 0, 1, 1], [], []>, transpose_lhs_hint = false} : vector<256x256xbf16>, vector<256x256xbf16>, vector<256x256xf32> -> vector<256x256xf32>
    %convert_element_type3A_344 = arith.truncf %dot_general3A_343 : vector<256x256xf32> to vector<256x256xbf16>
    %slice3A_345 = vector.extract_strided_slice %convert_element_type3A_344 {offsets = [0, 0], sizes = [64, 128], strides = [1, 1]} : vector<256x256xbf16> to vector<64x128xbf16>
    %slice3A_346 = vector.extract_strided_slice %convert_element_type3A_344 {offsets = [0, 128], sizes = [64, 128], strides = [1, 1]} : vector<256x256xbf16> to vector<64x128xbf16>
    %slice3A_347 = vector.extract_strided_slice %convert_element_type3A_344 {offsets = [64, 0], sizes = [64, 128], strides = [1, 1]} : vector<256x256xbf16> to vector<64x128xbf16>
    %slice3A_348 = vector.extract_strided_slice %convert_element_type3A_344 {offsets = [64, 128], sizes = [64, 128], strides = [1, 1]} : vector<256x256xbf16> to vector<64x128xbf16>
    %slice3A_349 = vector.extract_strided_slice %convert_element_type3A_344 {offsets = [128, 0], sizes = [64, 128], strides = [1, 1]} : vector<256x256xbf16> to vector<64x128xbf16>
    %slice3A_350 = vector.extract_strided_slice %convert_element_type3A_344 {offsets = [128, 128], sizes = [64, 128], strides = [1, 1]} : vector<256x256xbf16> to vector<64x128xbf16>
    %slice3A_351 = vector.extract_strided_slice %convert_element_type3A_344 {offsets = [192, 0], sizes = [64, 128], strides = [1, 1]} : vector<256x256xbf16> to vector<64x128xbf16>
    %slice3A_352 = vector.extract_strided_slice %convert_element_type3A_344 {offsets = [192, 128], sizes = [64, 128], strides = [1, 1]} : vector<256x256xbf16> to vector<64x128xbf16>
    %get3A_353 = arith.constant 5 : index
    %get3A_354 = arith.constant 2 : index
    %get3A_355 = arith.constant 0 : index
    %get3A_356 = arith.constant 0 : index
    %get3A_357 = vector.load %arg1[%get3A_353, %get3A_354, %get3A_355, %get3A_356] : memref<8x3x256x256xf32, #tpu.memory_space<vmem>>, vector<1x1x256x256xf32>
    %get3A_358 = vector.shape_cast %get3A_357 : vector<1x1x256x256xf32> to vector<256x256xf32>
    %convert_element_type3A_359 = arith.truncf %get3A_358 : vector<256x256xf32> to vector<256x256xbf16>
    %get3A_360 = arith.constant 0 : index
    %get3A_361 = arith.constant 0 : index
    %get3A_362 = vector.load %arg2[%get3A_360, %get3A_361] : memref<256x256xbf16, #tpu.memory_space<vmem>>, vector<256x256xbf16>
    %dot_general3A_363 = arith.constant dense<0.000000e+00> : vector<256x256xf32>
    %dot_general3A_364 = tpu.matmul %get3A_362, %convert_element_type3A_359, %dot_general3A_363 {dimension_numbers = #tpu.dot_dimension_numbers<[1], [0], [0], [1], [0, 0, 1, 1], [], []>, transpose_lhs_hint = false} : vector<256x256xbf16>, vector<256x256xbf16>, vector<256x256xf32> -> vector<256x256xf32>
    %convert_element_type3A_365 = arith.truncf %dot_general3A_364 : vector<256x256xf32> to vector<256x256xbf16>
    %slice3A_366 = vector.extract_strided_slice %convert_element_type3A_365 {offsets = [0, 0], sizes = [64, 128], strides = [1, 1]} : vector<256x256xbf16> to vector<64x128xbf16>
    %slice3A_367 = vector.extract_strided_slice %convert_element_type3A_365 {offsets = [0, 128], sizes = [64, 128], strides = [1, 1]} : vector<256x256xbf16> to vector<64x128xbf16>
    %slice3A_368 = vector.extract_strided_slice %convert_element_type3A_365 {offsets = [64, 0], sizes = [64, 128], strides = [1, 1]} : vector<256x256xbf16> to vector<64x128xbf16>
    %slice3A_369 = vector.extract_strided_slice %convert_element_type3A_365 {offsets = [64, 128], sizes = [64, 128], strides = [1, 1]} : vector<256x256xbf16> to vector<64x128xbf16>
    %slice3A_370 = vector.extract_strided_slice %convert_element_type3A_365 {offsets = [128, 0], sizes = [64, 128], strides = [1, 1]} : vector<256x256xbf16> to vector<64x128xbf16>
    %slice3A_371 = vector.extract_strided_slice %convert_element_type3A_365 {offsets = [128, 128], sizes = [64, 128], strides = [1, 1]} : vector<256x256xbf16> to vector<64x128xbf16>
    %slice3A_372 = vector.extract_strided_slice %convert_element_type3A_365 {offsets = [192, 0], sizes = [64, 128], strides = [1, 1]} : vector<256x256xbf16> to vector<64x128xbf16>
    %slice3A_373 = vector.extract_strided_slice %convert_element_type3A_365 {offsets = [192, 128], sizes = [64, 128], strides = [1, 1]} : vector<256x256xbf16> to vector<64x128xbf16>
    %get3A_374 = arith.constant 6 : index
    %get3A_375 = arith.constant 0 : index
    %get3A_376 = arith.constant 0 : index
    %get3A_377 = arith.constant 0 : index
    %get3A_378 = vector.load %arg1[%get3A_374, %get3A_375, %get3A_376, %get3A_377] : memref<8x3x256x256xf32, #tpu.memory_space<vmem>>, vector<1x1x256x256xf32>
    %get3A_379 = vector.shape_cast %get3A_378 : vector<1x1x256x256xf32> to vector<256x256xf32>
    %convert_element_type3A_380 = arith.truncf %get3A_379 : vector<256x256xf32> to vector<256x256xbf16>
    %get3A_381 = arith.constant 0 : index
    %get3A_382 = arith.constant 0 : index
    %get3A_383 = vector.load %arg2[%get3A_381, %get3A_382] : memref<256x256xbf16, #tpu.memory_space<vmem>>, vector<256x256xbf16>
    %dot_general3A_384 = arith.constant dense<0.000000e+00> : vector<256x256xf32>
    %dot_general3A_385 = tpu.matmul %get3A_383, %convert_element_type3A_380, %dot_general3A_384 {dimension_numbers = #tpu.dot_dimension_numbers<[1], [0], [0], [1], [0, 0, 1, 1], [], []>, transpose_lhs_hint = false} : vector<256x256xbf16>, vector<256x256xbf16>, vector<256x256xf32> -> vector<256x256xf32>
    %convert_element_type3A_386 = arith.truncf %dot_general3A_385 : vector<256x256xf32> to vector<256x256xbf16>
    %slice3A_387 = vector.extract_strided_slice %convert_element_type3A_386 {offsets = [0, 0], sizes = [64, 128], strides = [1, 1]} : vector<256x256xbf16> to vector<64x128xbf16>
    %slice3A_388 = vector.extract_strided_slice %convert_element_type3A_386 {offsets = [0, 128], sizes = [64, 128], strides = [1, 1]} : vector<256x256xbf16> to vector<64x128xbf16>
    %slice3A_389 = vector.extract_strided_slice %convert_element_type3A_386 {offsets = [64, 0], sizes = [64, 128], strides = [1, 1]} : vector<256x256xbf16> to vector<64x128xbf16>
    %slice3A_390 = vector.extract_strided_slice %convert_element_type3A_386 {offsets = [64, 128], sizes = [64, 128], strides = [1, 1]} : vector<256x256xbf16> to vector<64x128xbf16>
    %slice3A_391 = vector.extract_strided_slice %convert_element_type3A_386 {offsets = [128, 0], sizes = [64, 128], strides = [1, 1]} : vector<256x256xbf16> to vector<64x128xbf16>
    %slice3A_392 = vector.extract_strided_slice %convert_element_type3A_386 {offsets = [128, 128], sizes = [64, 128], strides = [1, 1]} : vector<256x256xbf16> to vector<64x128xbf16>
    %slice3A_393 = vector.extract_strided_slice %convert_element_type3A_386 {offsets = [192, 0], sizes = [64, 128], strides = [1, 1]} : vector<256x256xbf16> to vector<64x128xbf16>
    %slice3A_394 = vector.extract_strided_slice %convert_element_type3A_386 {offsets = [192, 128], sizes = [64, 128], strides = [1, 1]} : vector<256x256xbf16> to vector<64x128xbf16>
    %get3A_395 = arith.constant 6 : index
    %get3A_396 = arith.constant 1 : index
    %get3A_397 = arith.constant 0 : index
    %get3A_398 = arith.constant 0 : index
    %get3A_399 = vector.load %arg1[%get3A_395, %get3A_396, %get3A_397, %get3A_398] : memref<8x3x256x256xf32, #tpu.memory_space<vmem>>, vector<1x1x256x256xf32>
    %get3A_400 = vector.shape_cast %get3A_399 : vector<1x1x256x256xf32> to vector<256x256xf32>
    %convert_element_type3A_401 = arith.truncf %get3A_400 : vector<256x256xf32> to vector<256x256xbf16>
    %get3A_402 = arith.constant 0 : index
    %get3A_403 = arith.constant 0 : index
    %get3A_404 = vector.load %arg2[%get3A_402, %get3A_403] : memref<256x256xbf16, #tpu.memory_space<vmem>>, vector<256x256xbf16>
    %dot_general3A_405 = arith.constant dense<0.000000e+00> : vector<256x256xf32>
    %dot_general3A_406 = tpu.matmul %get3A_404, %convert_element_type3A_401, %dot_general3A_405 {dimension_numbers = #tpu.dot_dimension_numbers<[1], [0], [0], [1], [0, 0, 1, 1], [], []>, transpose_lhs_hint = false} : vector<256x256xbf16>, vector<256x256xbf16>, vector<256x256xf32> -> vector<256x256xf32>
    %convert_element_type3A_407 = arith.truncf %dot_general3A_406 : vector<256x256xf32> to vector<256x256xbf16>
    %slice3A_408 = vector.extract_strided_slice %convert_element_type3A_407 {offsets = [0, 0], sizes = [64, 128], strides = [1, 1]} : vector<256x256xbf16> to vector<64x128xbf16>
    %slice3A_409 = vector.extract_strided_slice %convert_element_type3A_407 {offsets = [0, 128], sizes = [64, 128], strides = [1, 1]} : vector<256x256xbf16> to vector<64x128xbf16>
    %slice3A_410 = vector.extract_strided_slice %convert_element_type3A_407 {offsets = [64, 0], sizes = [64, 128], strides = [1, 1]} : vector<256x256xbf16> to vector<64x128xbf16>
    %slice3A_411 = vector.extract_strided_slice %convert_element_type3A_407 {offsets = [64, 128], sizes = [64, 128], strides = [1, 1]} : vector<256x256xbf16> to vector<64x128xbf16>
    %slice3A_412 = vector.extract_strided_slice %convert_element_type3A_407 {offsets = [128, 0], sizes = [64, 128], strides = [1, 1]} : vector<256x256xbf16> to vector<64x128xbf16>
    %slice3A_413 = vector.extract_strided_slice %convert_element_type3A_407 {offsets = [128, 128], sizes = [64, 128], strides = [1, 1]} : vector<256x256xbf16> to vector<64x128xbf16>
    %slice3A_414 = vector.extract_strided_slice %convert_element_type3A_407 {offsets = [192, 0], sizes = [64, 128], strides = [1, 1]} : vector<256x256xbf16> to vector<64x128xbf16>
    %slice3A_415 = vector.extract_strided_slice %convert_element_type3A_407 {offsets = [192, 128], sizes = [64, 128], strides = [1, 1]} : vector<256x256xbf16> to vector<64x128xbf16>
    %get3A_416 = arith.constant 6 : index
    %get3A_417 = arith.constant 2 : index
    %get3A_418 = arith.constant 0 : index
    %get3A_419 = arith.constant 0 : index
    %get3A_420 = vector.load %arg1[%get3A_416, %get3A_417, %get3A_418, %get3A_419] : memref<8x3x256x256xf32, #tpu.memory_space<vmem>>, vector<1x1x256x256xf32>
    %get3A_421 = vector.shape_cast %get3A_420 : vector<1x1x256x256xf32> to vector<256x256xf32>
    %convert_element_type3A_422 = arith.truncf %get3A_421 : vector<256x256xf32> to vector<256x256xbf16>
    %get3A_423 = arith.constant 0 : index
    %get3A_424 = arith.constant 0 : index
    %get3A_425 = vector.load %arg2[%get3A_423, %get3A_424] : memref<256x256xbf16, #tpu.memory_space<vmem>>, vector<256x256xbf16>
    %dot_general3A_426 = arith.constant dense<0.000000e+00> : vector<256x256xf32>
    %dot_general3A_427 = tpu.matmul %get3A_425, %convert_element_type3A_422, %dot_general3A_426 {dimension_numbers = #tpu.dot_dimension_numbers<[1], [0], [0], [1], [0, 0, 1, 1], [], []>, transpose_lhs_hint = false} : vector<256x256xbf16>, vector<256x256xbf16>, vector<256x256xf32> -> vector<256x256xf32>
    %convert_element_type3A_428 = arith.truncf %dot_general3A_427 : vector<256x256xf32> to vector<256x256xbf16>
    %slice3A_429 = vector.extract_strided_slice %convert_element_type3A_428 {offsets = [0, 0], sizes = [64, 128], strides = [1, 1]} : vector<256x256xbf16> to vector<64x128xbf16>
    %slice3A_430 = vector.extract_strided_slice %convert_element_type3A_428 {offsets = [0, 128], sizes = [64, 128], strides = [1, 1]} : vector<256x256xbf16> to vector<64x128xbf16>
    %slice3A_431 = vector.extract_strided_slice %convert_element_type3A_428 {offsets = [64, 0], sizes = [64, 128], strides = [1, 1]} : vector<256x256xbf16> to vector<64x128xbf16>
    %slice3A_432 = vector.extract_strided_slice %convert_element_type3A_428 {offsets = [64, 128], sizes = [64, 128], strides = [1, 1]} : vector<256x256xbf16> to vector<64x128xbf16>
    %slice3A_433 = vector.extract_strided_slice %convert_element_type3A_428 {offsets = [128, 0], sizes = [64, 128], strides = [1, 1]} : vector<256x256xbf16> to vector<64x128xbf16>
    %slice3A_434 = vector.extract_strided_slice %convert_element_type3A_428 {offsets = [128, 128], sizes = [64, 128], strides = [1, 1]} : vector<256x256xbf16> to vector<64x128xbf16>
    %slice3A_435 = vector.extract_strided_slice %convert_element_type3A_428 {offsets = [192, 0], sizes = [64, 128], strides = [1, 1]} : vector<256x256xbf16> to vector<64x128xbf16>
    %slice3A_436 = vector.extract_strided_slice %convert_element_type3A_428 {offsets = [192, 128], sizes = [64, 128], strides = [1, 1]} : vector<256x256xbf16> to vector<64x128xbf16>
    %get3A_437 = arith.constant 7 : index
    %get3A_438 = arith.constant 0 : index
    %get3A_439 = arith.constant 0 : index
    %get3A_440 = arith.constant 0 : index
    %get3A_441 = vector.load %arg1[%get3A_437, %get3A_438, %get3A_439, %get3A_440] : memref<8x3x256x256xf32, #tpu.memory_space<vmem>>, vector<1x1x256x256xf32>
    %get3A_442 = vector.shape_cast %get3A_441 : vector<1x1x256x256xf32> to vector<256x256xf32>
    %convert_element_type3A_443 = arith.truncf %get3A_442 : vector<256x256xf32> to vector<256x256xbf16>
    %get3A_444 = arith.constant 0 : index
    %get3A_445 = arith.constant 0 : index
    %get3A_446 = vector.load %arg2[%get3A_444, %get3A_445] : memref<256x256xbf16, #tpu.memory_space<vmem>>, vector<256x256xbf16>
    %dot_general3A_447 = arith.constant dense<0.000000e+00> : vector<256x256xf32>
    %dot_general3A_448 = tpu.matmul %get3A_446, %convert_element_type3A_443, %dot_general3A_447 {dimension_numbers = #tpu.dot_dimension_numbers<[1], [0], [0], [1], [0, 0, 1, 1], [], []>, transpose_lhs_hint = false} : vector<256x256xbf16>, vector<256x256xbf16>, vector<256x256xf32> -> vector<256x256xf32>
    %convert_element_type3A_449 = arith.truncf %dot_general3A_448 : vector<256x256xf32> to vector<256x256xbf16>
    %slice3A_450 = vector.extract_strided_slice %convert_element_type3A_449 {offsets = [0, 0], sizes = [64, 128], strides = [1, 1]} : vector<256x256xbf16> to vector<64x128xbf16>
    %slice3A_451 = vector.extract_strided_slice %convert_element_type3A_449 {offsets = [0, 128], sizes = [64, 128], strides = [1, 1]} : vector<256x256xbf16> to vector<64x128xbf16>
    %slice3A_452 = vector.extract_strided_slice %convert_element_type3A_449 {offsets = [64, 0], sizes = [64, 128], strides = [1, 1]} : vector<256x256xbf16> to vector<64x128xbf16>
    %slice3A_453 = vector.extract_strided_slice %convert_element_type3A_449 {offsets = [64, 128], sizes = [64, 128], strides = [1, 1]} : vector<256x256xbf16> to vector<64x128xbf16>
    %slice3A_454 = vector.extract_strided_slice %convert_element_type3A_449 {offsets = [128, 0], sizes = [64, 128], strides = [1, 1]} : vector<256x256xbf16> to vector<64x128xbf16>
    %slice3A_455 = vector.extract_strided_slice %convert_element_type3A_449 {offsets = [128, 128], sizes = [64, 128], strides = [1, 1]} : vector<256x256xbf16> to vector<64x128xbf16>
    %slice3A_456 = vector.extract_strided_slice %convert_element_type3A_449 {offsets = [192, 0], sizes = [64, 128], strides = [1, 1]} : vector<256x256xbf16> to vector<64x128xbf16>
    %slice3A_457 = vector.extract_strided_slice %convert_element_type3A_449 {offsets = [192, 128], sizes = [64, 128], strides = [1, 1]} : vector<256x256xbf16> to vector<64x128xbf16>
    %get3A_458 = arith.constant 7 : index
    %get3A_459 = arith.constant 1 : index
    %get3A_460 = arith.constant 0 : index
    %get3A_461 = arith.constant 0 : index
    %get3A_462 = vector.load %arg1[%get3A_458, %get3A_459, %get3A_460, %get3A_461] : memref<8x3x256x256xf32, #tpu.memory_space<vmem>>, vector<1x1x256x256xf32>
    %get3A_463 = vector.shape_cast %get3A_462 : vector<1x1x256x256xf32> to vector<256x256xf32>
    %convert_element_type3A_464 = arith.truncf %get3A_463 : vector<256x256xf32> to vector<256x256xbf16>
    %get3A_465 = arith.constant 0 : index
    %get3A_466 = arith.constant 0 : index
    %get3A_467 = vector.load %arg2[%get3A_465, %get3A_466] : memref<256x256xbf16, #tpu.memory_space<vmem>>, vector<256x256xbf16>
    %dot_general3A_468 = arith.constant dense<0.000000e+00> : vector<256x256xf32>
    %dot_general3A_469 = tpu.matmul %get3A_467, %convert_element_type3A_464, %dot_general3A_468 {dimension_numbers = #tpu.dot_dimension_numbers<[1], [0], [0], [1], [0, 0, 1, 1], [], []>, transpose_lhs_hint = false} : vector<256x256xbf16>, vector<256x256xbf16>, vector<256x256xf32> -> vector<256x256xf32>
    %convert_element_type3A_470 = arith.truncf %dot_general3A_469 : vector<256x256xf32> to vector<256x256xbf16>
    %slice3A_471 = vector.extract_strided_slice %convert_element_type3A_470 {offsets = [0, 0], sizes = [64, 128], strides = [1, 1]} : vector<256x256xbf16> to vector<64x128xbf16>
    %slice3A_472 = vector.extract_strided_slice %convert_element_type3A_470 {offsets = [0, 128], sizes = [64, 128], strides = [1, 1]} : vector<256x256xbf16> to vector<64x128xbf16>
    %slice3A_473 = vector.extract_strided_slice %convert_element_type3A_470 {offsets = [64, 0], sizes = [64, 128], strides = [1, 1]} : vector<256x256xbf16> to vector<64x128xbf16>
    %slice3A_474 = vector.extract_strided_slice %convert_element_type3A_470 {offsets = [64, 128], sizes = [64, 128], strides = [1, 1]} : vector<256x256xbf16> to vector<64x128xbf16>
    %slice3A_475 = vector.extract_strided_slice %convert_element_type3A_470 {offsets = [128, 0], sizes = [64, 128], strides = [1, 1]} : vector<256x256xbf16> to vector<64x128xbf16>
    %slice3A_476 = vector.extract_strided_slice %convert_element_type3A_470 {offsets = [128, 128], sizes = [64, 128], strides = [1, 1]} : vector<256x256xbf16> to vector<64x128xbf16>
    %slice3A_477 = vector.extract_strided_slice %convert_element_type3A_470 {offsets = [192, 0], sizes = [64, 128], strides = [1, 1]} : vector<256x256xbf16> to vector<64x128xbf16>
    %slice3A_478 = vector.extract_strided_slice %convert_element_type3A_470 {offsets = [192, 128], sizes = [64, 128], strides = [1, 1]} : vector<256x256xbf16> to vector<64x128xbf16>
    %get3A_479 = arith.constant 7 : index
    %get3A_480 = arith.constant 2 : index
    %get3A_481 = arith.constant 0 : index
    %get3A_482 = arith.constant 0 : index
    %get3A_483 = vector.load %arg1[%get3A_479, %get3A_480, %get3A_481, %get3A_482] : memref<8x3x256x256xf32, #tpu.memory_space<vmem>>, vector<1x1x256x256xf32>
    %get3A_484 = vector.shape_cast %get3A_483 : vector<1x1x256x256xf32> to vector<256x256xf32>
    %convert_element_type3A_485 = arith.truncf %get3A_484 : vector<256x256xf32> to vector<256x256xbf16>
    %get3A_486 = arith.constant 0 : index
    %get3A_487 = arith.constant 0 : index
    %get3A_488 = vector.load %arg2[%get3A_486, %get3A_487] : memref<256x256xbf16, #tpu.memory_space<vmem>>, vector<256x256xbf16>
    %dot_general3A_489 = arith.constant dense<0.000000e+00> : vector<256x256xf32>
    %dot_general3A_490 = tpu.matmul %get3A_488, %convert_element_type3A_485, %dot_general3A_489 {dimension_numbers = #tpu.dot_dimension_numbers<[1], [0], [0], [1], [0, 0, 1, 1], [], []>, transpose_lhs_hint = false} : vector<256x256xbf16>, vector<256x256xbf16>, vector<256x256xf32> -> vector<256x256xf32>
    %convert_element_type3A_491 = arith.truncf %dot_general3A_490 : vector<256x256xf32> to vector<256x256xbf16>
    %slice3A_492 = vector.extract_strided_slice %convert_element_type3A_491 {offsets = [0, 0], sizes = [64, 128], strides = [1, 1]} : vector<256x256xbf16> to vector<64x128xbf16>
    %slice3A_493 = vector.extract_strided_slice %convert_element_type3A_491 {offsets = [0, 128], sizes = [64, 128], strides = [1, 1]} : vector<256x256xbf16> to vector<64x128xbf16>
    %slice3A_494 = vector.extract_strided_slice %convert_element_type3A_491 {offsets = [64, 0], sizes = [64, 128], strides = [1, 1]} : vector<256x256xbf16> to vector<64x128xbf16>
    %slice3A_495 = vector.extract_strided_slice %convert_element_type3A_491 {offsets = [64, 128], sizes = [64, 128], strides = [1, 1]} : vector<256x256xbf16> to vector<64x128xbf16>
    %slice3A_496 = vector.extract_strided_slice %convert_element_type3A_491 {offsets = [128, 0], sizes = [64, 128], strides = [1, 1]} : vector<256x256xbf16> to vector<64x128xbf16>
    %slice3A_497 = vector.extract_strided_slice %convert_element_type3A_491 {offsets = [128, 128], sizes = [64, 128], strides = [1, 1]} : vector<256x256xbf16> to vector<64x128xbf16>
    %slice3A_498 = vector.extract_strided_slice %convert_element_type3A_491 {offsets = [192, 0], sizes = [64, 128], strides = [1, 1]} : vector<256x256xbf16> to vector<64x128xbf16>
    %slice3A_499 = vector.extract_strided_slice %convert_element_type3A_491 {offsets = [192, 128], sizes = [64, 128], strides = [1, 1]} : vector<256x256xbf16> to vector<64x128xbf16>
    %concatenate3A = tpu.concatenate %slice3A, %slice3A_11, %slice3A_13, %slice3A_15, %slice3A_30, %slice3A_32, %slice3A_34, %slice3A_36, %slice3A_51, %slice3A_53, %slice3A_55, %slice3A_57 in 1 : vector<64x128xbf16>, vector<64x128xbf16>, vector<64x128xbf16>, vector<64x128xbf16>, vector<64x128xbf16>, vector<64x128xbf16>, vector<64x128xbf16>, vector<64x128xbf16>, vector<64x128xbf16>, vector<64x128xbf16>, vector<64x128xbf16>, vector<64x128xbf16> -> vector<64x1536xbf16>
    %concatenate3A_500 = tpu.concatenate %slice3A_72, %slice3A_74, %slice3A_76, %slice3A_78, %slice3A_93, %slice3A_95, %slice3A_97, %slice3A_99, %slice3A_114, %slice3A_116, %slice3A_118, %slice3A_120 in 1 : vector<64x128xbf16>, vector<64x128xbf16>, vector<64x128xbf16>, vector<64x128xbf16>, vector<64x128xbf16>, vector<64x128xbf16>, vector<64x128xbf16>, vector<64x128xbf16>, vector<64x128xbf16>, vector<64x128xbf16>, vector<64x128xbf16>, vector<64x128xbf16> -> vector<64x1536xbf16>
    %concatenate3A_501 = tpu.concatenate %slice3A_135, %slice3A_137, %slice3A_139, %slice3A_141, %slice3A_156, %slice3A_158, %slice3A_160, %slice3A_162, %slice3A_177, %slice3A_179, %slice3A_181, %slice3A_183 in 1 : vector<64x128xbf16>, vector<64x128xbf16>, vector<64x128xbf16>, vector<64x128xbf16>, vector<64x128xbf16>, vector<64x128xbf16>, vector<64x128xbf16>, vector<64x128xbf16>, vector<64x128xbf16>, vector<64x128xbf16>, vector<64x128xbf16>, vector<64x128xbf16> -> vector<64x1536xbf16>
    %concatenate3A_502 = tpu.concatenate %slice3A_198, %slice3A_200, %slice3A_202, %slice3A_204, %slice3A_219, %slice3A_221, %slice3A_223, %slice3A_225, %slice3A_240, %slice3A_242, %slice3A_244, %slice3A_246 in 1 : vector<64x128xbf16>, vector<64x128xbf16>, vector<64x128xbf16>, vector<64x128xbf16>, vector<64x128xbf16>, vector<64x128xbf16>, vector<64x128xbf16>, vector<64x128xbf16>, vector<64x128xbf16>, vector<64x128xbf16>, vector<64x128xbf16>, vector<64x128xbf16> -> vector<64x1536xbf16>
    %concatenate3A_503 = tpu.concatenate %slice3A_261, %slice3A_263, %slice3A_265, %slice3A_267, %slice3A_282, %slice3A_284, %slice3A_286, %slice3A_288, %slice3A_303, %slice3A_305, %slice3A_307, %slice3A_309 in 1 : vector<64x128xbf16>, vector<64x128xbf16>, vector<64x128xbf16>, vector<64x128xbf16>, vector<64x128xbf16>, vector<64x128xbf16>, vector<64x128xbf16>, vector<64x128xbf16>, vector<64x128xbf16>, vector<64x128xbf16>, vector<64x128xbf16>, vector<64x128xbf16> -> vector<64x1536xbf16>
    %concatenate3A_504 = tpu.concatenate %slice3A_324, %slice3A_326, %slice3A_328, %slice3A_330, %slice3A_345, %slice3A_347, %slice3A_349, %slice3A_351, %slice3A_366, %slice3A_368, %slice3A_370, %slice3A_372 in 1 : vector<64x128xbf16>, vector<64x128xbf16>, vector<64x128xbf16>, vector<64x128xbf16>, vector<64x128xbf16>, vector<64x128xbf16>, vector<64x128xbf16>, vector<64x128xbf16>, vector<64x128xbf16>, vector<64x128xbf16>, vector<64x128xbf16>, vector<64x128xbf16> -> vector<64x1536xbf16>
    %concatenate3A_505 = tpu.concatenate %slice3A_387, %slice3A_389, %slice3A_391, %slice3A_393, %slice3A_408, %slice3A_410, %slice3A_412, %slice3A_414, %slice3A_429, %slice3A_431, %slice3A_433, %slice3A_435 in 1 : vector<64x128xbf16>, vector<64x128xbf16>, vector<64x128xbf16>, vector<64x128xbf16>, vector<64x128xbf16>, vector<64x128xbf16>, vector<64x128xbf16>, vector<64x128xbf16>, vector<64x128xbf16>, vector<64x128xbf16>, vector<64x128xbf16>, vector<64x128xbf16> -> vector<64x1536xbf16>
    %concatenate3A_506 = tpu.concatenate %slice3A_450, %slice3A_452, %slice3A_454, %slice3A_456, %slice3A_471, %slice3A_473, %slice3A_475, %slice3A_477, %slice3A_492, %slice3A_494, %slice3A_496, %slice3A_498 in 1 : vector<64x128xbf16>, vector<64x128xbf16>, vector<64x128xbf16>, vector<64x128xbf16>, vector<64x128xbf16>, vector<64x128xbf16>, vector<64x128xbf16>, vector<64x128xbf16>, vector<64x128xbf16>, vector<64x128xbf16>, vector<64x128xbf16>, vector<64x128xbf16> -> vector<64x1536xbf16>
    %concatenate3A_507 = tpu.concatenate %concatenate3A, %concatenate3A_500, %concatenate3A_501, %concatenate3A_502, %concatenate3A_503, %concatenate3A_504, %concatenate3A_505, %concatenate3A_506 in 0 : vector<64x1536xbf16>, vector<64x1536xbf16>, vector<64x1536xbf16>, vector<64x1536xbf16>, vector<64x1536xbf16>, vector<64x1536xbf16>, vector<64x1536xbf16>, vector<64x1536xbf16> -> vector<512x1536xbf16>
    %get3A_508 = arith.constant 0 : index
    %get3A_509 = arith.constant 0 : index
    %get3A_510 = vector.load %arg3[%get3A_508, %get3A_509] : memref<1536x2048xbf16, #tpu.memory_space<vmem>>, vector<1536x2048xbf16>
    %dot_general3A_511 = arith.constant dense<0.000000e+00> : vector<512x2048xf32>
    %dot_general3A_512 = tpu.matmul %concatenate3A_507, %get3A_510, %dot_general3A_511 {dimension_numbers = #tpu.dot_dimension_numbers<[1], [0], [0], [1], [0, 0, 1, 1], [], []>, transpose_lhs_hint = false} : vector<512x1536xbf16>, vector<1536x2048xbf16>, vector<512x2048xf32> -> vector<512x2048xf32>
    %get3A_513 = arith.constant 0 : index
    %get3A_514 = arith.constant 0 : index
    %get3A_515 = vector.load %arg4[%get3A_513, %get3A_514] : memref<1x4096xf32, #tpu.memory_space<vmem>>, vector<1x2048xf32>
    %add3A = vector.broadcast %get3A_515 : vector<1x2048xf32> to vector<512x2048xf32>
    %add3A_516 = arith.addf %dot_general3A_512, %add3A : vector<512x2048xf32>
    %reshape3A = vector.shape_cast %add3A_516 : vector<512x2048xf32> to vector<8x64x2048xf32>
    %swap3A = arith.constant 0 : index
    %swap3A_517 = arith.constant 0 : index
    %swap3A_518 = arith.constant 0 : index
    %swap3A_519 = vector.load %arg5[%swap3A, %swap3A_517, %swap3A_518] : memref<8x64x4096xf32, #tpu.memory_space<vmem>>, vector<8x64x2048xf32>
    tpu.vector_store %arg5[%swap3A, %swap3A_517, %swap3A_518], %reshape3A {strides = array<i32>} : memref<8x64x4096xf32, #tpu.memory_space<vmem>>, vector<8x64x2048xf32>,
    %concatenate3A_520 = tpu.concatenate %slice3A_10, %slice3A_12, %slice3A_14, %slice3A_16, %slice3A_31, %slice3A_33, %slice3A_35, %slice3A_37, %slice3A_52, %slice3A_54, %slice3A_56, %slice3A_58 in 1 : vector<64x128xbf16>, vector<64x128xbf16>, vector<64x128xbf16>, vector<64x128xbf16>, vector<64x128xbf16>, vector<64x128xbf16>, vector<64x128xbf16>, vector<64x128xbf16>, vector<64x128xbf16>, vector<64x128xbf16>, vector<64x128xbf16>, vector<64x128xbf16> -> vector<64x1536xbf16>
    %concatenate3A_521 = tpu.concatenate %slice3A_73, %slice3A_75, %slice3A_77, %slice3A_79, %slice3A_94, %slice3A_96, %slice3A_98, %slice3A_100, %slice3A_115, %slice3A_117, %slice3A_119, %slice3A_121 in 1 : vector<64x128xbf16>, vector<64x128xbf16>, vector<64x128xbf16>, vector<64x128xbf16>, vector<64x128xbf16>, vector<64x128xbf16>, vector<64x128xbf16>, vector<64x128xbf16>, vector<64x128xbf16>, vector<64x128xbf16>, vector<64x128xbf16>, vector<64x128xbf16> -> vector<64x1536xbf16>
    %concatenate3A_522 = tpu.concatenate %slice3A_136, %slice3A_138, %slice3A_140, %slice3A_142, %slice3A_157, %slice3A_159, %slice3A_161, %slice3A_163, %slice3A_178, %slice3A_180, %slice3A_182, %slice3A_184 in 1 : vector<64x128xbf16>, vector<64x128xbf16>, vector<64x128xbf16>, vector<64x128xbf16>, vector<64x128xbf16>, vector<64x128xbf16>, vector<64x128xbf16>, vector<64x128xbf16>, vector<64x128xbf16>, vector<64x128xbf16>, vector<64x128xbf16>, vector<64x128xbf16> -> vector<64x1536xbf16>
    %concatenate3A_523 = tpu.concatenate %slice3A_199, %slice3A_201, %slice3A_203, %slice3A_205, %slice3A_220, %slice3A_222, %slice3A_224, %slice3A_226, %slice3A_241, %slice3A_243, %slice3A_245, %slice3A_247 in 1 : vector<64x128xbf16>, vector<64x128xbf16>, vector<64x128xbf16>, vector<64x128xbf16>, vector<64x128xbf16>, vector<64x128xbf16>, vector<64x128xbf16>, vector<64x128xbf16>, vector<64x128xbf16>, vector<64x128xbf16>, vector<64x128xbf16>, vector<64x128xbf16> -> vector<64x1536xbf16>
    %concatenate3A_524 = tpu.concatenate %slice3A_262, %slice3A_264, %slice3A_266, %slice3A_268, %slice3A_283, %slice3A_285, %slice3A_287, %slice3A_289, %slice3A_304, %slice3A_306, %slice3A_308, %slice3A_310 in 1 : vector<64x128xbf16>, vector<64x128xbf16>, vector<64x128xbf16>, vector<64x128xbf16>, vector<64x128xbf16>, vector<64x128xbf16>, vector<64x128xbf16>, vector<64x128xbf16>, vector<64x128xbf16>, vector<64x128xbf16>, vector<64x128xbf16>, vector<64x128xbf16> -> vector<64x1536xbf16>
    %concatenate3A_525 = tpu.concatenate %slice3A_325, %slice3A_327, %slice3A_329, %slice3A_331, %slice3A_346, %slice3A_348, %slice3A_350, %slice3A_352, %slice3A_367, %slice3A_369, %slice3A_371, %slice3A_373 in 1 : vector<64x128xbf16>, vector<64x128xbf16>, vector<64x128xbf16>, vector<64x128xbf16>, vector<64x128xbf16>, vector<64x128xbf16>, vector<64x128xbf16>, vector<64x128xbf16>, vector<64x128xbf16>, vector<64x128xbf16>, vector<64x128xbf16>, vector<64x128xbf16> -> vector<64x1536xbf16>
    %concatenate3A_526 = tpu.concatenate %slice3A_388, %slice3A_390, %slice3A_392, %slice3A_394, %slice3A_409, %slice3A_411, %slice3A_413, %slice3A_415, %slice3A_430, %slice3A_432, %slice3A_434, %slice3A_436 in 1 : vector<64x128xbf16>, vector<64x128xbf16>, vector<64x128xbf16>, vector<64x128xbf16>, vector<64x128xbf16>, vector<64x128xbf16>, vector<64x128xbf16>, vector<64x128xbf16>, vector<64x128xbf16>, vector<64x128xbf16>, vector<64x128xbf16>, vector<64x128xbf16> -> vector<64x1536xbf16>
    %concatenate3A_527 = tpu.concatenate %slice3A_451, %slice3A_453, %slice3A_455, %slice3A_457, %slice3A_472, %slice3A_474, %slice3A_476, %slice3A_478, %slice3A_493, %slice3A_495, %slice3A_497, %slice3A_499 in 1 : vector<64x128xbf16>, vector<64x128xbf16>, vector<64x128xbf16>, vector<64x128xbf16>, vector<64x128xbf16>, vector<64x128xbf16>, vector<64x128xbf16>, vector<64x128xbf16>, vector<64x128xbf16>, vector<64x128xbf16>, vector<64x128xbf16>, vector<64x128xbf16> -> vector<64x1536xbf16>
    %concatenate3A_528 = tpu.concatenate %concatenate3A_520, %concatenate3A_521, %concatenate3A_522, %concatenate3A_523, %concatenate3A_524, %concatenate3A_525, %concatenate3A_526, %concatenate3A_527 in 0 : vector<64x1536xbf16>, vector<64x1536xbf16>, vector<64x1536xbf16>, vector<64x1536xbf16>, vector<64x1536xbf16>, vector<64x1536xbf16>, vector<64x1536xbf16>, vector<64x1536xbf16> -> vector<512x1536xbf16>
    %get3A_529 = arith.constant 0 : index
    %get3A_530 = arith.constant 0 : index
    %get3A_531 = vector.load %arg3[%get3A_529, %get3A_530] : memref<1536x2048xbf16, #tpu.memory_space<vmem>>, vector<1536x2048xbf16>
    %dot_general3A_532 = arith.constant dense<0.000000e+00> : vector<512x2048xf32>
    %dot_general3A_533 = tpu.matmul %concatenate3A_528, %get3A_531, %dot_general3A_532 {dimension_numbers = #tpu.dot_dimension_numbers<[1], [0], [0], [1], [0, 0, 1, 1], [], []>, transpose_lhs_hint = false} : vector<512x1536xbf16>, vector<1536x2048xbf16>, vector<512x2048xf32> -> vector<512x2048xf32>
    %get3A_534 = arith.constant 0 : index
    %get3A_535 = arith.constant 2048 : index
    %get3A_536 = vector.load %arg4[%get3A_534, %get3A_535] : memref<1x4096xf32, #tpu.memory_space<vmem>>, vector<1x2048xf32>
    %add3A_537 = vector.broadcast %get3A_536 : vector<1x2048xf32> to vector<512x2048xf32>
    %add3A_538 = arith.addf %dot_general3A_533, %add3A_537 : vector<512x2048xf32>
    %reshape3A_539 = vector.shape_cast %add3A_538 : vector<512x2048xf32> to vector<8x64x2048xf32>
    %swap3A_540 = arith.constant 0 : index
    %swap3A_541 = arith.constant 0 : index
    %swap3A_542 = arith.constant 2048 : index
    %swap3A_543 = vector.load %arg5[%swap3A_540, %swap3A_541, %swap3A_542] : memref<8x64x4096xf32, #tpu.memory_space<vmem>>, vector<8x64x2048xf32>
    tpu.vector_store %arg5[%swap3A_540, %swap3A_541, %swap3A_542], %reshape3A_539 {strides = array<i32>} : memref<8x64x4096xf32, #tpu.memory_space<vmem>>, vector<8x64x2048xf32>,
    return
  }
  func.func @transform_0(%arg0: i32) -> (i32, i32, i32, i32) {
    %c0_i32 = arith.constant 0 : i32
    %c0_i32_0 = arith.constant 0 : i32
    %c0_i32_1 = arith.constant 0 : i32
    %c0_i32_2 = arith.constant 0 : i32
    return %arg0, %c0_i32, %c0_i32_0, %c0_i32_1 : i32, i32, i32, i32
  }
  func.func @transform_1(%arg0: i32) -> (i32, i32) {
    %c0_i32 = arith.constant 0 : i32
    %c0_i32_0 = arith.constant 0 : i32
    %c0_i32_1 = arith.constant 0 : i32
    return %c0_i32, %c0_i32_0 : i32, i32
  }
  func.func @transform_2(%arg0: i32) -> (i32, i32) {
    %c0_i32 = arith.constant 0 : i32
    %c0_i32_0 = arith.constant 0 : i32
    %c0_i32_1 = arith.constant 0 : i32
    return %c0_i32, %c0_i32_0 : i32, i32
  }
  func.func @transform_3(%arg0: i32) -> (i32, i32) {
    %c0_i32 = arith.constant 0 : i32
    %c0_i32_0 = arith.constant 0 : i32
    %c0_i32_1 = arith.constant 0 : i32
    return %c0_i32, %c0_i32_0 : i32, i32
  }
  func.func @transform_4(%arg0: i32) -> (i32, i32, i32) {
    %c0_i32 = arith.constant 0 : i32
    %c0_i32_0 = arith.constant 0 : i32
    %c0_i32_1 = arith.constant 0 : i32
    return %arg0, %c0_i32, %c0_i32_0 : i32, i32, i32
  }
}

</mosaic_0001>

<sc_bundles>
// kernel: kernel.4.cloned.1.call-start
scs
__scs_entry_jumppad:
0x0: {  	(pc) =	sbr.rel $0x88, $3  }
0x1: {  	(tag) =	ssettag $0x0;
	lr =	simm.s32 $0x1  }
0x2: {  	[smem:$0x3F9C] =	sst lr;
	_ =	strace $0xD0000000  }
0x3: {  	_ = 	snop  }
0x4: {  	_ = 	snop  }
0x5: {  	_ = 	snop  }
0x6: {  	_ = 	snop  }
0x7: {  	_ = 	snop  }
__scs_overlays_trampoline_lowered:
0x8: {  	[smem:$0x3FAB] =	sst s0  }
0x9: {  	[smem:$0x3FAC] =	sst s1  }
0xa: {  	[smem:$0x3FAD] =	sst s2  }
0xb: {  	[smem:$0x3FAE] =	sst s3  }
0xc: {  	[smem:$0x3FAF] =	sst s4  }
0xd: {  	[smem:$0x3FB0] =	sst s5  }
0xe: {  	[smem:$0x3FB1] =	sst s6  }
0xf: {  	[smem:$0x3FB2] =	sst s7  }
0x10: {  	[smem:$0x3FB3] =	sst s8  }
0x11: {  	[smem:$0x3FB4] =	sst s9;
	s0 =	simm.s32 @!p0 $0x0  }
0x12: {  	s1 =	sld [smem:$0x3F9A];
	s0 =	simm.s32 @p0 $0x1  }
0x13: {  	[smem:$0x3FB5] =	sst s0;
	s0 =	simm.s32 @!p1 $0x0  }
0x14: {  	s2 =	sld [smem:$0x3F99];
	s0 =	simm.s32 @p1 $0x1  }
0x15: {  	[smem:$0x3FB6] =	sst s0;
	s0 =	simm.s32 @!p2 $0x0  }
0x16: {  	s3 =	sld [smem:$0x3FDB];
	s0 =	simm.s32 @p2 $0x1  }
0x17: {  	s4 =	simm.s32 $0x1BF5;
	[smem:$0x3FB8] =	sst s0  }
0x18: {  	s0 =	sld [smem:$0x3F9B];
	_ =	swait.ge [sflag:s4], $0x0  }
0x19: {  	s7 =	sld [smem:$0x3F9C]  }
0x1a: {  	s8 =	sadd.s32 $0xFFFFE003, lr  }
0x1b: {  	s9 =	sadd.s32 $0xFFFFFEF7, lr;
	s5 =	simm.s32 $0xFFFFFFFF;
	p2 =	slt.u32 s8, $0xFFFFF086  }
0x1c: {  	p1 =	slt.u32 s9, $0xF7A;
	s5 =	simm.s32 @!p2 $0x0  }
0x1d: {  	s5 =	simm.s32 @p1 $0x1;
	p0 =	seq.s32 s7, s2  }
0x1e: {  	s7 =	smul.u32 @!p0 $0xF7A, s2;
	p2 =	seq.s32 @!p0 s5, $0x0  }
0x1f: {  	s9 =	smul.u32 $0xF7A, s1;
	s8 =	simm.s32 @!p0 $0x1BF5;
	p2 =	por !p2, p0  }
0x20: {  	[sflag:s8] =	ssyncset.s32 @!p0 $0xFFFFF086;
	s6 =	sadd.s32 @!p0 s3, s7;
	s7 =	simm.s32 @!p0 $0x108  }
0x21: {  	s3 =	sadd.s32 s3, s9;
	s6 =	sadd.s32 @!p0 $0x88, s6;
	s7 =	simm.s32 @p2 $0x1082  }
0x22: {  	[simem:s7], [sflag:s8] =	dma.local @!p0 [hbm:s6], $0xF7A  }
0x23: {  	s9 =	sor.u32 $0xD0000000, s2;
	s6 =	simm.s32 $0x108;
	_ =	swait.ge @!p0 [sflag:s8], $0x0  }
0x24: {  	s3 =	sadd.s32 $0x88, s3;
	s6 =	simm.s32 @!p1 $0x1082;
	[sflag:s4] =	ssyncset.s32 $0xFFFFF086  }
0x25: {  	[simem:s6], [sflag:s4] =	dma.local [hbm:s3], $0xF7A  }
0x26: {  	[smem:$0x3F9C] =	sst s1;
	(tag) =	ssettag s2;
	_ =	strace s9  }
0x27: {  	s1 =	sld [smem:$0x3FAC]  }
0x28: {  	s2 =	sld [smem:$0x3FAD]  }
0x29: {  	s4 =	sld [smem:$0x3FAF]  }
0x2a: {  	p0 =	seq.s32 s5, $0x0;
	s5 =	sld [smem:$0x3FB0]  }
0x2b: {  	s6 =	sld [smem:$0x3FB1]  }
0x2c: {  	s7 =	sld [smem:$0x3FB2]  }
0x2d: {  	s3 =	simm.s32 $0x108;
	s8 =	sld [smem:$0x3FB3]  }
0x2e: {  	s3 =	simm.s32 @!p0 $0x1082;
	s9 =	sld [smem:$0x3FB4]  }
0x2f: {  	lr =	sadd.s32 s0, s3;
	s0 =	sld [smem:$0x3FAB]  }
0x30: {  	s3 =	sld [smem:$0x3FAE]  }
0x31: {  	[smem:$0x3FB7] =	sst s10  }
0x32: {  	s10 =	sld [smem:$0x3FB5];
	_ =	sdelay $0x3  }
0x33: {  	p0 =	seq.s32 s10, $0x1;
	s10 =	sld [smem:$0x3FB7];
	_ =	sdelay $0x3  }
0x34: {  	[smem:$0x3FB7] =	sst s10  }
0x35: {  	s10 =	sld [smem:$0x3FB6];
	_ =	sdelay $0x3  }
0x36: {  	p1 =	seq.s32 s10, $0x1;
	s10 =	sld [smem:$0x3FB7];
	_ =	sdelay $0x3  }
0x37: {  	[smem:$0x3FB7] =	sst s10  }
0x38: {  	s10 =	sld [smem:$0x3FB8]  }
0x39: {  	_ = 	snop;
	(pc) =	sbr.ind lr, $3  }
0x3a: {  	_ = 	snop  }
0x3b: {  	_ = 	snop  }
0x3c: {  	p2 =	seq.s32 s10, $0x1;
	s10 =	sld [smem:$0x3FB7]  }
0x3d: {  	_ =	shalt  }
0x3e: {  	_ =	shalt  }
0x3f: {  	_ =	shalt  }
0x40: {  	_ =	shalt  }
0x41: {  	_ =	shalt  }
0x42: {  	_ =	shalt  }
0x43: {  	_ =	shalt  }
0x44: {  	_ =	shalt  }
0x45: {  	_ =	shalt  }
0x46: {  	_ =	shalt  }
0x47: {  	_ =	shalt  }
0x48: {  	_ =	shalt  }
0x49: {  	_ =	shalt  }
0x4a: {  	_ =	shalt  }
0x4b: {  	_ =	shalt  }
0x4c: {  	_ =	shalt  }
0x4d: {  	_ =	shalt  }
0x4e: {  	_ =	shalt  }
0x4f: {  	_ =	shalt  }
0x50: {  	_ =	shalt  }
0x51: {  	_ =	shalt  }
0x52: {  	_ =	shalt  }
0x53: {  	_ =	shalt  }
0x54: {  	_ =	shalt  }
0x55: {  	_ =	shalt  }
0x56: {  	_ =	shalt  }
0x57: {  	_ =	shalt  }
0x58: {  	_ =	shalt  }
0x59: {  	_ =	shalt  }
0x5a: {  	_ =	shalt  }
0x5b: {  	_ =	shalt  }
0x5c: {  	_ =	shalt  }
0x5d: {  	_ =	shalt  }
0x5e: {  	_ =	shalt  }
0x5f: {  	_ =	shalt  }
0x60: {  	_ =	shalt  }
0x61: {  	_ =	shalt  }
0x62: {  	_ =	shalt  }
0x63: {  	_ =	shalt  }
0x64: {  	_ =	shalt  }
0x65: {  	_ =	shalt  }
0x66: {  	_ =	shalt  }
0x67: {  	_ =	shalt  }
0x68: {  	_ =	shalt  }
0x69: {  	_ =	shalt  }
0x6a: {  	_ =	shalt  }
0x6b: {  	_ =	shalt  }
0x6c: {  	_ =	shalt  }
0x6d: {  	_ =	shalt  }
0x6e: {  	_ =	shalt  }
0x6f: {  	_ =	shalt  }
0x70: {  	_ =	shalt  }
0x71: {  	_ =	shalt  }
0x72: {  	_ =	shalt  }
0x73: {  	_ =	shalt  }
0x74: {  	_ =	shalt  }
0x75: {  	_ =	shalt  }
0x76: {  	_ =	shalt  }
0x77: {  	_ =	shalt  }
0x78: {  	_ =	shalt  }
0x79: {  	_ =	shalt  }
0x7a: {  	_ =	shalt  }
0x7b: {  	_ =	shalt  }
0x7c: {  	_ =	shalt  }
0x7d: {  	_ =	shalt  }
0x7e: {  	_ =	shalt  }
0x7f: {  	_ =	shalt  }
0x80: {  	_ =	shalt  }
0x81: {  	_ =	shalt  }
0x82: {  	_ =	shalt  }
0x83: {  	_ =	shalt  }
0x84: {  	_ =	shalt  }
0x85: {  	_ =	shalt  }
0x86: {  	_ =	shalt  }
0x87: {  	_ =	shalt  }
.Lfunc_end0:
.L_simem_size_0:
called_computation.1_lowered:
.L_overlay_start_0:
0x88: {  	s2 =	sld [smem:$0x3FD9]  }
0x89: {  	s3 =	sld [smem:$0x3FFE];
	_ =	sdelay $0x1  }
0x8a: {  	s1 =	srdreg.scid  }
0x8b: {  	s0 =	sand.u32 $0x1, s1  }
0x8c: {  	s16 =	sshll.u32 s0, $0xA;
	s2 =	sadd.s32 s3, s2  }
0x8d: {  	s2 =	sadd.s32 s2, s16  }
0x8e: {  	[smem:$0x3FC3] =	sst s2  }
0x8f: {  	_ = 	snop  }
0x90: {  	s4 =	sld [smem:$0x3FD0];
	_ =	sdelay $0x1  }
0x91: {  	s2 =	sld [smem:$0x3FC8]  }
0x92: {  	s5 =	simm.s32 $0xB;
	s6 =	simm.s32 $0x10;
	s17 =	sld [smem:$0x3FC7]  }
0x93: {  	[smem:s6], [sflag:s5] =	dma.local [hbm:s4], $0x1  }
0x94: {  	_ =	swait.eq [sflag:s5], $0x1  }
0x95: {  	[sflag:s5] =	ssyncset.done $0x0  }
0x96: {  	[sflag:s5] =	ssyncadd.s32 $0xFFFFFFFF  }
0x97: {  	s18 =	sld [smem:$0x11];
	(tm) =	ssettm $0x1  }
0x98: {  	s19 =	sld [smem:$0x3FFB];
	_ =	sdelay $0x3  }
0x99: {  	_ =	strace s19  }
0x9a: {  	s4 =	sld [smem:$0x3FFC];
	_ =	sdelay $0x3  }
0x9b: {  	_ =	strace s4  }
0x9c: {  	s4 =	sld [smem:$0x3FFD];
	_ =	sdelay $0x3  }
0x9d: {  	_ =	strace s4  }
0x9e: {  	_ =	strace $0x8FFFFFFF  }
0x9f: {  	s20 =	sld [smem:$0x3FDB];
	_ =	sdelay $0x1  }
0xa0: {  	s21 =	simm.s32 $_scs_section_size  }
0xa1: {  	s7 =	simm.s32 $_size__tile_overlayer_lowered;
	s8 =	simm.s32 $_tile_overlayer_lowered  }
0xa2: {  	s9 =	simm.s32 $0x1BFF;
	s22 =	sshll.u32 s8, $0x1;
	s6 =	sadd.s32 s21, s20  }
0xa3: {  	s23 =	simm.s32 $0x0;
	s7 =	sshll.u32 s7, $0x1;
	s8 =	sadd.s32 s22, s6  }
0xa4: {  	[timem:s23], [sflag:s9] =	dma.local [hbm:s8], s7  }
0xa5: {  	_ =	swait.ge [sflag:s9], s7  }
0xa6: {  	s7 =	ssub.s32 $0x0, s7;
	[sflag:s9] =	ssyncset.done $0x0  }
0xa7: {  	[sflag:s9] =	ssyncadd.s32 s7;
	_ =	sdelay $0x1  }
0xa8: {  	s24 =	simm.s32 $0x1B8B  }
0xa9: {  	_ =	swait.ge [sflag:s24], $0x1  }
0xaa: {  	[sflag:s24] =	ssyncset.done $0x0  }
0xab: {  	[sflag:s24] =	ssyncadd.s32 $0xFFFFFFFF  }
0xac: {  	s7 =	sld [smem:$0x0]  }
0xad: {  	s8 =	sand.u32 $0xFFFFFFFE, s1  }
0xae: {  	p0 =	sne.s32 s1, s8  }
0xaf: {  	s8 =	sshll.u32 @p0 s8, $0xE  }
0xb0: {  	s8 =	sadd.s32 @p0 $0x11B8D, s8;
	s9 =	sshll.u32 @p0 s7, $0x11  }
0xb1: {  	s8 =	sor.u32 @p0 s9, s8  }
0xb2: {  	[sflag:s8] =	ssyncadd.remote.s32 @p0 $0x1;
	_ =	sdelay $0x1  }
0xb3: {  	s8 =	simm.s32 @p0 $0x1B8D  }
0xb4: {  	_ =	swait.eq @p0 [sflag:s8], $0x1  }
0xb5: {  	[sflag:s8] =	ssyncadd.s32 @p0 $0xFFFFFFFF  }
0xb6: {  	s9 =	sshll.u32 @!p0 s1, $0xE  }
0xb7: {  	s9 =	sor.u32 @!p0 $0x4000, s9;
	s8 =	simm.s32 @!p0 $0x1B8D  }
0xb8: {  	s7 =	sshll.u32 @!p0 s7, $0x11;
	s9 =	sadd.s32 @!p0 $0x11B8D, s9;
	_ =	swait.eq @!p0 [sflag:s8], $0x1  }
0xb9: {  	s7 =	sor.u32 @!p0 s7, s9;
	[sflag:s8] =	ssyncadd.s32 @!p0 $0xFFFFFFFF  }
0xba: {  	s25 =	simm.s32 $0x1B8E;
	[sflag:s7] =	ssyncadd.remote.s32 @!p0 $0x1  }
0xbb: {  	s26 =	simm.s32 $execute0_lowered;
	[smem:$0x3FD2] =	sst s25  }
0xbc: {  	s7 =	sshll.u32 s26, $0x1;
	_ =	strace $0x80000049;
	[dreg:$0x1] =	wrdreg $0xFFFFFFFF  }
0xbd: {  	s28 =	simm.s32 $_size_execute0_lowered;
	s6 =	sadd.s32 s6, s7;
	[dreg:$0x0] =	wrdreg $0x0  }
0xbe: {  	s7 =	sshll.u32 s28, $0x1;
	[dreg:$0x2] =	wrdreg s6  }
0xbf: {  	[dreg:$0x3] =	wrdreg s7  }
0xc0: {  	[dreg:$0x4] =	wrdreg $0xC0  }
0xc1: {  	_ =	task [dreg:s23], $0x5FFFF  }
0xc2: {  	[dreg:$0x1] =	wrdreg $0xFFFFFFFF  }
0xc3: {  	[dreg:$0x0] =	wrdreg $0x60  }
0xc4: {  	[dreg:$0x2] =	wrdreg s2  }
0xc5: {  	[dreg:$0x3] =	wrdreg s17  }
0xc6: {  	[dreg:$0x4] =	wrdreg s18  }
0xc7: {  	[dreg:$0x5] =	wrdreg $0xA  }
0xc8: {  	_ =	task.clear_ibuf [dreg:s23], $0x6FFFF;
	_ =	strace $0x90000049  }
0xc9: {  	s29 =	simm.s32 $0xA;
	_ =	strace $0x8000004B  }
0xca: {  	_ =	swait.ge [sflag:s29], $0x1  }
0xcb: {  	[sflag:s29] =	ssyncadd.s32 $0xFFFFFFFF  }
0xcc: {  	_ =	strace $0x9000004B  }
0xcd: {  	_ =	sfence  }
0xce: {  	s30 =	sld [smem:$0x0];
	_ =	sdelay $0x2  }
0xcf: {  	s31 =	sshll.u32 s1, $0xD;
	s1 =	sshrl.u32 s1, $0x2  }
0xd0: {  	s3 =	sand.u32 $0x4000, s31;
	s1 =	sadd.s32 s1, s30  }
0xd1: {  	s0 =	sor.u32 s3, s0;
	s1 =	sshll.u32 s1, $0x11  }
0xd2: {  	s0 =	sor.u32 s1, s0  }
0xd3: {  	s0 =	sadd.s32 $0x8F2B, s0  }
0xd4: {  	[sflag:s0] =	ssyncadd.remote.s32 $0x1  }
0xd5: {  	_ =	sfence.sel $0xFFFF  }
0xd6: {  	[dreg:$0x0] =	wrdreg $0xFFFFFFFF;
	(pc) =	sbr.abs _section_cstart, $3  }
0xd7: {  	[dreg:$0x1] =	wrdreg $0xFFFFFFFF  }
0xd8: {  	_ =	task.clear_ibuf [dreg:s23], $0x2FFFF;
	_ =	strace $0x9FFFFFFF  }
0xd9: {  	(tm) =	ssettm $0x7FFFFFFF  }
tec
execute0_lowered:
.L_overlay_start_1:
0x0: {  	(tag) =	ssettag $0x1  }
0x1: {  	s1 =	rddreg [dreg:$0x0]  }
0x2: {  	s3 =	rddreg [dreg:$0x1]  }
0x3: {  	s7 =	rddreg [dreg:$0x2];
	s4 =	srdreg.scid  }
0x4: {  	s0 =	rddreg [dreg:$0x3];
	s2 =	stileid.u32;
	s5 =	sand.u32 $0x1, s4  }
0x5: {  	s4 =	simm.s32 $0x0;
	s6 =	sshll.u32 s2, $0x2;
	s11 =	sshll.u32 s2, $0xE  }
0x6: {  	s8 =	sshll.u32 s5, $0x1;
	[smem:$0x7FF] =	sst s4;
	s5 =	ssub.s32 $0x2, s5  }
0x7: {  	s8 =	sor.u32 s8, s6;
	_ =	strace $0x8000004A;
	s9 =	sshrl.u32 s5, $0x1  }
0x8: {  	s10 =	sor.u32 $0x1, s8;
	s12 =	sshll.u32 s8, $0x7;
	s9 =	ssub.s32 s5, s9  }
0x9: {  	s5 =	sand.u32 $0x30, s6;
	s29 =	sand.u32 $0xE, s8;
	s13 =	sshll.u32 s10, $0x7  }
0xa: {  	s12 =	sor.u32 s11, s12;
	s31 =	sand.u32 $0xF, s10;
	s8 =	smax.u32 s9, $0x1  }
0xb: {  	s9 =	simm.s32 $0x1;
	s10 =	simm.s32 $0x80;
	s11 =	sor.u32 s11, s13  }
0xc: {  	s28 =	sand.u32 $0x38300, s12;
	s12 =	simm.s32 $0x100;
	s11 =	sand.u32 $0x38380, s11  }
0xd: {  	s13 =	simm.s32 $0x0;
	s6 =	sshrl.u32 s28, $0x3;
	s30 =	sshrl.u32 s11, $0x3  }
0xe: {  	v2 =	vlaneseq.u32;
	v0 =	vmov s29;
	v1 =	vmov s31;
	s6 =	sadd.s32 s7, s6;
	s11 =	simm.s32 $0x400;
	s7 =	sadd.s32 s7, s30  }
.LBB2_1:
0xf: {  	[tilespmem:s4], [sflag:$0x1] =	stream.linear.gather [hbm4b:s1+s4], $0x80, $0x38;
	[tilespmem:$0x1100] =	vst v63  }
0x10: {  	_ =	swait.ge [sflag:s9], $0x80  }
0x11: {  	[sflag:s9] =	ssyncset.done $0x0  }
0x12: {  	[sflag:s9] =	ssyncadd.s32 $0xFFFFFF80  }
0x13: {  	[tilespmem:s10], [sflag:$0x1] =	stream.linear.gather [hbm4b:s3+s4], $0x80, $0x38;
	[tilespmem:$0x1100] =	vst v63  }
0x14: {  	_ =	swait.ge [sflag:s9], $0x80  }
0x15: {  	[sflag:s9] =	ssyncset.done $0x0  }
0x16: {  	[sflag:s9] =	ssyncadd.s32 $0xFFFFFF80  }
0x17: {  	v3 =	vld [tilespmem:s5+$0x0]  }
0x18: {  	v4 =	vld [tilespmem:s5+$0x80];
	_ =	sdelay $0x3  }
0x19: {  	v3 =	vshll.u32 v3, $0x5  }
0x1a: {  	v4 =	vshra.s32 v4, $0x2;
	v3 =	vand.u32 $0xFFFFFF80, v3  }
0x1b: {  	v3 =	vadd.s32 v4, v3  }
0x1c: {  	v5 =	vmov s4;
	v6 =	vor.u32 s4, v2;
	v4 =	vperm.xlane v3, v0  }
0x1d: {  	v5 =	vshll.u32 v5, $0x1;
	v6 =	vand.u32 $0x3F, v6  }
0x1e: {  	v5 =	vand.u32 $0x1F80, v5;
	v6 =	vadd.s32 v4, v6  }
0x1f: {  	v5 =	vadd.s32 v5, v6  }
0x20: {  	s14 =	simm.s32 $0x10;
	s15 =	simm.s32 $0x100;
	[tilespmem:s12+$0x0] =	vst v5  }
.LBB2_2:
0x21: {  	p0 =	sne.s32 s14, $0xFF0  }
.Ltmp0:
0x22: {  	v5 =	vmov s14;
	v6 =	vor.u32 s14, v2;
	s14 =	sadd.s32 $0x10, s14;
	(pc) =	sbr.rel @p0 .LBB2_2-.Ltmp0, $4  }
0x23: {  	v5 =	vshll.u32 v5, $0x1;
	v6 =	vand.u32 $0x3F, v6  }
0x24: {  	v5 =	vand.u32 $0x1F80, v5;
	v6 =	vadd.s32 v4, v6  }
0x25: {  	s15 =	sadd.s32 $0x10, s15;
	v5 =	vadd.s32 v5, v6  }
0x26: {  	[tilespmem:s15+$0x0] =	vst v5  }
0x27: {  	s14 =	simm.s32 $0x100;
	s15 =	simm.s32 $0x0  }
0x28: {  	v3 =	vperm.xlane v3, v1;
	[hbm4b:s6+s10] =	stream.strided.scatter [tilespmem:s14], [sflag:$0x1], $0x1000, s11, s10, $0x38;
	v4 =	vmov s15;
	v5 =	vor.u32 s15, v2;
	[tilespmem:$0x1100] =	vst v63  }
0x29: {  	_ =	swait.ge [sflag:s9], $0x1000;
	v4 =	vshll.u32 v4, $0x1;
	v5 =	vand.u32 $0x3F, v5  }
0x2a: {  	[sflag:s9] =	ssyncset.done $0x0;
	v4 =	vand.u32 $0x1F80, v4;
	v5 =	vadd.s32 v3, v5  }
0x2b: {  	[sflag:s9] =	ssyncadd.s32 $0xFFFFF000;
	v4 =	vadd.s32 v4, v5  }
0x2c: {  	s15 =	simm.s32 $0x10;
	[tilespmem:s14+$0x0] =	vst v4  }
.LBB2_4:
0x2d: {  	p0 =	sne.s32 s15, $0xFF0  }
.Ltmp1:
0x2e: {  	v4 =	vmov s15;
	v5 =	vor.u32 s15, v2;
	s15 =	sadd.s32 $0x10, s15;
	(pc) =	sbr.rel @p0 .LBB2_4-.Ltmp1, $4  }
0x2f: {  	v4 =	vshll.u32 v4, $0x1;
	v5 =	vand.u32 $0x3F, v5  }
0x30: {  	v4 =	vand.u32 $0x1F80, v4;
	v5 =	vadd.s32 v3, v5  }
0x31: {  	s14 =	sadd.s32 $0x10, s14;
	v4 =	vadd.s32 v4, v5  }
0x32: {  	[tilespmem:s14+$0x0] =	vst v4  }
0x33: {  	s13 =	sadd.s32 $0x1, s13  }
0x34: {  	p0 =	sne.s32 s13, s8  }
.Ltmp2:
0x35: {  	_ = 	snop;
	(pc) =	sbr.rel @p0 .LBB2_1-.Ltmp2, $4  }
0x36: {  	[hbm4b:s7+s10] =	stream.strided.scatter [tilespmem:s12], [sflag:$0x1], $0x1000, s11, s10, $0x38;
	[tilespmem:$0x1100] =	vst v63  }
0x37: {  	_ =	swait.ge [sflag:s9], $0x1000  }
0x38: {  	[sflag:s9] =	ssyncset.done $0x0  }
0x39: {  	[sflag:s9] =	ssyncadd.s32 $0xFFFFF000  }
0x3a: {  	_ =	sfence.sel $0x180000  }
0x3b: {  	[bflag:$0x0] =	sbarrier.arrive $0xFFFF  }
0x3c: {  	p0 =	sne.s32 s2, $0x0;
	_ =	strace $0x9000004A  }
0x3d: {  	s0 =	sadd.s32 @!p0 $0x100000, s0;
	[bflag:$0x2] =	sbarrier.arrive $0xFFFF  }
0x3e: {  	[sflag:s0] =	ssyncadd.tile.s32 @!p0 $0x1;
	_ =	shalt  }
.Lfunc_end2:
_tile_overlayer_lowered:
.L_overlay_start_2:
0x3f: {  	(tag) =	ssettag $0x2  }
0x40: {  	s0 =	rddreg [dreg:$0x0];
	s2 =	stileid.u32  }
0x41: {  	s1 =	rddreg [dreg:$0x1];
	p0 =	sne.s32 s2, $0x0  }
0x42: {  	s3 =	rddreg [dreg:$0x2];
	[bflag:$0x3] =	sbarrier.arrive $0xFFFF;
	s2 =	simm.s32 @!p0 $0x1C01  }
0x43: {  	[timem:s3], [sflag:s2] =	dma.local @!p0 [hbm:s0], s1  }
0x44: {  	s0 =	simm.s32 @!p0 $0x1  }
0x45: {  	_ =	swait.ge @!p0 [sflag:s0], s1  }
0x46: {  	s1 =	ssub.s32 @!p0 $0x0, s1;
	[sflag:s0] =	ssyncset.done @!p0 $0x0  }
0x47: {  	[sflag:s0] =	ssyncadd.s32 @!p0 s1  }
0x48: {  	[bflag:$0x3] =	sbarrier.arrive $0xFFFF  }
0x49: {  	_ =	shalt  }

// kernel: sparse-core-data-format-call.cloned.1.call-start
scs
called_computation_lowered:
.L_overlay_start_0:
0x0: {  	s2 =	sld [smem:$0x3FD9]  }
0x1: {  	s3 =	sld [smem:$0x3FFE];
	_ =	sdelay $0x1  }
0x2: {  	s1 =	srdreg.scid  }
0x3: {  	s0 =	sand.u32 $0x1, s1  }
0x4: {  	s15 =	sshll.u32 s0, $0xA;
	s2 =	sadd.s32 s3, s2  }
0x5: {  	s2 =	sadd.s32 s2, s15  }
0x6: {  	[smem:$0x3FC3] =	sst s2  }
0x7: {  	_ = 	snop  }
0x8: {  	s2 =	sld [smem:$0x3FD0];
	_ =	sdelay $0x2  }
0x9: {  	s16 =	simm.s32 $0xB;
	s4 =	simm.s32 $0x10  }
0xa: {  	[smem:s4], [sflag:s16] =	dma.local [hbm:s2], $0x1  }
0xb: {  	_ =	swait.eq [sflag:s16], $0x1  }
0xc: {  	[sflag:s16] =	ssyncset.done $0x0  }
0xd: {  	[sflag:s16] =	ssyncadd.s32 $0xFFFFFFFF  }
0xe: {  	s17 =	sld [smem:$0x10];
	(tm) =	ssettm $0x1  }
0xf: {  	s18 =	sld [smem:$0x3FFB];
	_ =	sdelay $0x3  }
0x10: {  	_ =	strace s18  }
0x11: {  	s3 =	sld [smem:$0x3FFC];
	_ =	sdelay $0x3  }
0x12: {  	_ =	strace s3  }
0x13: {  	s3 =	sld [smem:$0x3FFD];
	_ =	sdelay $0x3  }
0x14: {  	_ =	strace s3  }
0x15: {  	_ =	strace $0x8FFFFFFF  }
0x16: {  	s19 =	sld [smem:$0x3FDB];
	_ =	sdelay $0x1  }
0x17: {  	s20 =	simm.s32 $_scs_section_size  }
0x18: {  	s5 =	simm.s32 $_size__tile_overlayer_lowered;
	s6 =	simm.s32 $_tile_overlayer_lowered  }
0x19: {  	s23 =	simm.s32 $0x1BFF;
	s22 =	sshll.u32 s6, $0x1;
	s3 =	sadd.s32 s20, s19  }
0x1a: {  	s7 =	simm.s32 $0x0;
	s21 =	sshll.u32 s5, $0x1;
	s5 =	sadd.s32 s22, s3  }
0x1b: {  	[timem:s7], [sflag:s23] =	dma.local [hbm:s5], s21  }
0x1c: {  	_ =	swait.ge [sflag:s23], s21  }
0x1d: {  	s4 =	ssub.s32 $0x0, s21;
	[sflag:s23] =	ssyncset.done $0x0  }
0x1e: {  	[sflag:s23] =	ssyncadd.s32 s4;
	_ =	sdelay $0x1  }
0x1f: {  	s24 =	simm.s32 $0x1B8B  }
0x20: {  	_ =	swait.ge [sflag:s24], $0x1  }
0x21: {  	[sflag:s24] =	ssyncset.done $0x0  }
0x22: {  	s26 =	simm.s32 $0x1B8E;
	s25 =	sld [smem:$0x3FFE];
	[sflag:s24] =	ssyncadd.s32 $0xFFFFFFFF  }
0x23: {  	s27 =	simm.s32 $execute0_lowered;
	[smem:$0x3FD2] =	sst s26  }
0x24: {  	s5 =	sshll.u32 s27, $0x1;
	_ =	strace $0x80000046;
	[dreg:$0x1] =	wrdreg $0xFFFFFFFF  }
0x25: {  	s28 =	simm.s32 $_size_execute0_lowered;
	s3 =	sadd.s32 s3, s5;
	[dreg:$0x0] =	wrdreg $0x0  }
0x26: {  	s5 =	sshll.u32 s28, $0x1;
	[dreg:$0x2] =	wrdreg s3  }
0x27: {  	[dreg:$0x3] =	wrdreg s5  }
0x28: {  	[dreg:$0x4] =	wrdreg $0xC0  }
0x29: {  	_ =	task [dreg:s7], $0x5FFFF  }
0x2a: {  	[dreg:$0x1] =	wrdreg $0xFFFFFFFF  }
0x2b: {  	[dreg:$0x0] =	wrdreg $0x60  }
0x2c: {  	[dreg:$0x2] =	wrdreg s25  }
0x2d: {  	[dreg:$0x3] =	wrdreg s17  }
0x2e: {  	[dreg:$0x4] =	wrdreg $0x9  }
0x2f: {  	_ =	task.clear_ibuf [dreg:s7], $0x5FFFF;
	_ =	strace $0x90000046  }
0x30: {  	s29 =	simm.s32 $0x9;
	_ =	strace $0x80000048  }
0x31: {  	_ =	swait.ge [sflag:s29], $0x1  }
0x32: {  	[sflag:s29] =	ssyncadd.s32 $0xFFFFFFFF  }
0x33: {  	_ =	strace $0x90000048  }
0x34: {  	_ =	sfence  }
0x35: {  	s30 =	sld [smem:$0x0];
	_ =	sdelay $0x2  }
0x36: {  	s31 =	sshll.u32 s1, $0xD;
	s1 =	sshrl.u32 s1, $0x2  }
0x37: {  	s3 =	sand.u32 $0x4000, s31;
	s1 =	sadd.s32 s1, s30  }
0x38: {  	s0 =	sor.u32 s3, s0;
	s1 =	sshll.u32 s1, $0x11  }
0x39: {  	s0 =	sor.u32 s1, s0  }
0x3a: {  	s0 =	sadd.s32 $0x8F2B, s0  }
0x3b: {  	[sflag:s0] =	ssyncadd.remote.s32 $0x1  }
0x3c: {  	_ =	sfence.sel $0xFFFF  }
0x3d: {  	[dreg:$0x0] =	wrdreg $0xFFFFFFFF;
	(pc) =	sbr.abs _section_cstart, $3  }
0x3e: {  	[dreg:$0x1] =	wrdreg $0xFFFFFFFF  }
0x3f: {  	_ =	task.clear_ibuf [dreg:s7], $0x2FFFF;
	_ =	strace $0x9FFFFFFF  }
0x40: {  	(tm) =	ssettm $0x7FFFFFFF  }
0x41: {  	_ =	shalt  }
tec
execute0_lowered:
.L_overlay_start_1:
0x0: {  	(tag) =	ssettag $0x1  }
0x1: {  	s0 =	srdreg.scid  }
0x2: {  	s7 =	rddreg [dreg:$0x0];
	s1 =	sshll.u32 s0, $0x4  }
0x3: {  	s3 =	rddreg [dreg:$0x1];
	s0 =	stileid.u32;
	s1 =	sand.u32 $0x10, s1  }
0x4: {  	s6 =	simm.s32 $0x1;
	s31 =	simm.s32 $0x2;
	s1 =	sor.u32 s0, s1  }
0x5: {  	s13 =	simm.s32 $0x0;
	s9 =	simm.s32 $0x8000;
	s2 =	sshll.u32 s1, $0x1  }
0x6: {  	s14 =	simm.s32 $0x0;
	s10 =	simm.s32 $0x0;
	s4 =	ssub.s32 $0x40, s2  }
0x7: {  	s12 =	simm.s32 $0x0;
	s1 =	rddreg [dreg:$0x2];
	s5 =	sand.u32 $0x3E, s4  }
.Ltmp0:
0x8: {  	_ =	strace $0x80000047;
	p0 =	sne.s32 s5, $0x0;
	(pc) =	sbr.rel .LBB1_1-.Ltmp0, $4  }
0x9: {  	s11 =	smov.u32 s2;
	s8 =	sshrl.u32 s4, $0x6;
	s6 =	simm.s32 @!p0 $0x0  }
0xa: {  	s4 =	sadd.s32 $0xA00, s7;
	s5 =	simm.s32 $0x1;
	s6 =	sadd.s32 s6, s8  }
0xb: {  	s7 =	sadd.s32 $0x10A00, s7;
	[sflag:s5] =	ssyncpa.u1 $0x0;
	s6 =	sshll.u32 s6, $0x5  }
0xc: {  	p0 =	por $0x0, $0x0;
	[sflag:s31] =	ssyncpa.u1 $0x0;
	s8 =	sor.u32 $0x1, s6  }
.LBB1_7:
0xd: {  	s15 =	sadd.s32 $0x80, s10  }
0xe: {  	s13 =	sadd.s32 $0x40, s11;
	s17 =	smov.u32 s11;
	p2 =	sgt.s32 s15, $0xFFF  }
0xf: {  	s17 =	smov.u32 @p2 s13  }
0x10: {  	s15 =	simm.s32 @p2 $0x0;
	p2 =	sgt.s32 s17, $0x3F  }
0x11: {  	s17 =	smov.u32 @p2 s2;
	p2 =	sne.s32 s12, s8  }
.Ltmp1:
0x12: {  	p1 =	slt.u32 s12, $0x2;
	(pc) =	sbr.rel @!p2 .LBB1_8-.Ltmp1, $4  }
0x13: {  	s16 =	simm.s32 @!p1 $0x2  }
0x14: {  	s14 =	smov.u32 s11;
	p0 =	por !p0, !p0;
	_ =	swait.ge @!p1 [sflag:s16], $0x4000  }
0x15: {  	s13 =	smov.u32 s10;
	[sflag:s16] =	ssyncset.done @!p1 $0x0;
	s10 =	smov.u32 s15  }
0x16: {  	s12 =	sadd.s32 $0x1, s12;
	[sflag:s16] =	ssyncadd.s32 @!p1 $0xFFFFC000;
	s11 =	smov.u32 s17  }
.LBB1_1:
0x17: {  	p1 =	sge.u32 s12, s6  }
0x18: {  	s15 =	sxor.u32 @!p1 $0xFFFFFFFF, s12;
	s16 =	sshll.u32 @!p1 s11, $0x10  }
0x19: {  	s17 =	sshll.u32 @!p1 s10, $0x4;
	s19 =	simm.s32 @!p1 $0x40;
	s20 =	simm.s32 @!p1 $0x80  }
0x1a: {  	s15 =	sshll.u32 @!p1 s15, $0xE;
	s17 =	sand.u32 @!p1 $0xFFF0, s17;
	s18 =	sadd.s32 @!p1 s4, s16  }
0x1b: {  	s16 =	sadd.s32 @!p1 s16, s7;
	s15 =	sand.u32 @!p1 $0x4000, s15;
	s18 =	sadd.s32 @!p1 s17, s18  }
0x1c: {  	[tilespmem:s15], [sflag:$0x1] =	stream.strided.gather @!p1 [hbm4b:s18+s19], $0x2000, s20, s19, $0x38;
	[tilespmem:$0x10100] =	vst v63  }
0x1d: {  	s31 =	sadd.s32 $0xFFFFFFFF, s12;
	s16 =	sadd.s32 @!p1 s17, s16;
	s15 =	sor.u32 @!p1 $0x2000, s15  }
0x1e: {  	[tilespmem:s15], [sflag:$0x1] =	stream.strided.gather @!p1 [hbm4b:s16+s19], $0x2000, s20, s19, $0x38;
	[tilespmem:$0x10100] =	vst v63  }
0x1f: {  	p1 =	sge.u32 s31, s6  }
.Ltmp2:
0x20: {  	_ = 	snop;
	(pc) =	sbr.rel @p1 .LBB1_7-.Ltmp2, $1  }
0x21: {  	_ =	sdelay $0x3  }
0x22: {  	s15 =	simm.s32 $0x1;
	s17 =	sand.u32 $0x1, s12  }
0x23: {  	_ =	swait.ge [sflag:s5], $0x4000;
	s15 =	simm.s32 @!p0 $0x0;
	s17 =	smul.u32 $0x10200, s17  }
0x24: {  	p2 =	por $0x1, $0x1;
	[sflag:s5] =	ssyncset.done $0x0;
	s16 =	smul.u32 $0x10200, s15  }
0x25: {  	s18 =	sshll.u32 s15, $0x10;
	[sflag:s5] =	ssyncadd.s32 $0xFFFFC000;
	s30 =	sshrl.u32 s17, $0x2  }
0x26: {  	s31 =	sshrl.u32 s18, $0x2;
	s18 =	simm.s32 $0x0;
	s16 =	sshrl.u32 s16, $0x2  }
0x27: {  	s15 =	sor.u32 $0x8000, s30;
	s17 =	sadd.s32 $0x20, s31;
	s16 =	sor.u32 $0x8000, s16  }
.LBB1_3:
0x28: {  	s19 =	sshll.u32 s18, $0xD  }
0x29: {  	s19 =	sand.u32 $0x3FFFE000, s19  }
0x2a: {  	s21 =	sadd.s32 s19, s17  }
0x2b: {  	s31 =	smul.u32 $0x8100, s18;
	v3 =	vld [tilespmem:s21+$0x10]  }
0x2c: {  	v1 =	vld [tilespmem:s21+$0xFFFFFFF0]  }
0x2d: {  	s18 =	sshra.s32 s31, $0x2;
	v0 =	vld [tilespmem:s21+$0x0]  }
0x2e: {  	s18 =	sadd.s32 s18, s16;
	v2 =	vld [tilespmem:s21+$0xFFFFFFE0]  }
0x2f: {  	s19 =	sadd.s32 $0x0, s18  }
0x30: {  	p1 =	por p2, p2;
	s20 =	simm.s32 $0x4;
	s21 =	sadd.s32 $0x40, s21;
	[tilespmem:s19+$0x1830 ss:$0x81] =	vst.msk $0xffff, v3  }
.LBB1_4:
0x31: {  	v3 =	vld [tilespmem:s21+$0x10];
	p2 =	sne.s32 s20, $0x1FC;
	[tilespmem:s19+$0x810 ss:$0x81] =	vst.msk $0xffff, v1;
	s22 =	smov.u32 s20;
	s20 =	sadd.s32 $0x4, s20  }
.Ltmp3:
0x32: {  	v1 =	vld [tilespmem:s21+$0xFFFFFFF0];
	[tilespmem:s19+$0x1020 ss:$0x81] =	vst.msk $0xffff, v0;
	(pc) =	sbr.rel @p2 .LBB1_4-.Ltmp3, $4  }
0x33: {  	v0 =	vld [tilespmem:s21+$0x0];
	[tilespmem:s19+$0x0 ss:$0x81] =	vst.msk $0xffff, v2  }
0x34: {  	s19 =	sshra.s32 s22, $0x2;
	v2 =	vld [tilespmem:s21+$0xFFFFFFE0]  }
0x35: {  	s19 =	sadd.s32 s19, s18  }
0x36: {  	s21 =	sadd.s32 $0x40, s21;
	[tilespmem:s19+$0x1830 ss:$0x81] =	vst.msk $0xffff, v3  }
.Ltmp4:
0x37: {  	(pc) =	sbr.rel @p1 .LBB1_3-.Ltmp4, $4  }
0x38: {  	_ = 	snop  }
0x39: {  	[tilespmem:s19+$0x810 ss:$0x81] =	vst.msk $0xffff, v1  }
0x3a: {  	[tilespmem:s19+$0x1020 ss:$0x81] =	vst.msk $0xffff, v0  }
0x3b: {  	s18 =	simm.s32 $0x1;
	p2 =	por $0x0, $0x0;
	[tilespmem:s19+$0x0 ss:$0x81] =	vst.msk $0xffff, v2  }
0x3c: {  	s16 =	sshll.u32 s13, $0x3;
	s17 =	sand.u32 $0x78, s13;
	s14 =	sshll.u32 s14, $0xF  }
.Ltmp5:
0x3d: {  	s30 =	sand.u32 $0x7E00, s13;
	s16 =	sand.u32 $0xC00, s16;
	(pc) =	sbr.rel .LBB1_7-.Ltmp5, $4  }
0x3e: {  	s31 =	sand.u32 $0x7, s13;
	s14 =	sadd.s32 s3, s14;
	s16 =	sor.u32 s17, s16  }
0x3f: {  	s13 =	sshll.u32 s31, $0x12;
	s14 =	sadd.s32 s30, s14;
	s16 =	sshrl.u32 s16, $0x3  }
0x40: {  	s13 =	sor.u32 $0x400, s13;
	s14 =	sadd.s32 s16, s14  }
0x41: {  	[hbm4b:s14+s13] =	stream.strided.scatter [tilespmem:s15], [sflag:$0x2], $0x4000, s9, s13, $0x20;
	[tilespmem:$0x10100] =	vst v63  }
.LBB1_8:
0x42: {  	_ =	sfence.sel $0x180000  }
0x43: {  	s2 =	simm.s32 $0x1;
	[bflag:$0x0] =	sbarrier.arrive $0xFFFF  }
0x44: {  	s31 =	simm.s32 $0x2;
	[sflag:s2] =	ssyncpa.u1 $0x1  }
0x45: {  	[sflag:s31] =	ssyncpa.u1 $0x1  }
0x46: {  	p0 =	sne.s32 s0, $0x0;
	_ =	strace $0x90000047  }
0x47: {  	s0 =	sadd.s32 @!p0 $0x100000, s1;
	[bflag:$0x2] =	sbarrier.arrive $0xFFFF  }
0x48: {  	[sflag:s0] =	ssyncadd.tile.s32 @!p0 $0x1;
	_ =	shalt  }
.Lfunc_end1:
_tile_overlayer_lowered:
.L_overlay_start_2:
0x49: {  	(tag) =	ssettag $0x2  }
0x4a: {  	s0 =	rddreg [dreg:$0x0];
	s2 =	stileid.u32  }
0x4b: {  	s1 =	rddreg [dreg:$0x1];
	p0 =	sne.s32 s2, $0x0  }
0x4c: {  	s3 =	rddreg [dreg:$0x2];
	[bflag:$0x3] =	sbarrier.arrive $0xFFFF;
	s2 =	simm.s32 @!p0 $0x1C01  }
0x4d: {  	[timem:s3], [sflag:s2] =	dma.local @!p0 [hbm:s0], s1  }
0x4e: {  	s0 =	simm.s32 @!p0 $0x1  }
0x4f: {  	_ =	swait.ge @!p0 [sflag:s0], s1  }
0x50: {  	s1 =	ssub.s32 @!p0 $0x0, s1;
	[sflag:s0] =	ssyncset.done @!p0 $0x0  }
0x51: {  	[sflag:s0] =	ssyncadd.s32 @!p0 s1  }
0x52: {  	[bflag:$0x3] =	sbarrier.arrive $0xFFFF  }
0x53: {  	_ =	shalt  }

</sc_bundles>
